<compile_context>
chip_gen: v7x
topology: tpu7x:2x2x1
jax: 0.10.2.dev20260603
libtpu: 0.0.44.dev20260713+nightly
codegen_flags: <defaults>
</compile_context>

<pallas_src>
import functools

import jax
import jax.numpy as jnp
from jax import lax
from jax.experimental import pallas as pl
from jax.experimental.pallas import tpu as pltpu
from jax.experimental.pallas import tpu_sc as plsc

_N = 200000
_NV = 16
_NB = 128
_NC = 2
_NS = 16
_NW = _NC * _NS
_ROWS_W = _N // _NW
_CHUNK = 625
_NCHUNK = _ROWS_W // _CHUNK

_mesh = plsc.VectorSubcoreMesh(core_axis_name="c", subcore_axis_name="s")


def _wid():
    return lax.axis_index("s") * _NC + lax.axis_index("c")


@functools.partial(
    pl.kernel,
    out_type=jax.ShapeDtypeStruct((_NW * 2 * _NV,), jnp.float32),
    mesh=_mesh,
    scratch_types=[
        pltpu.VMEM((_ROWS_W * _NV,), jnp.float32),
        pltpu.VMEM((2 * _NV,), jnp.float32),
    ],
)
def _minmax_k(feats_hbm, out_hbm, buf, mm):
    wid = _wid()
    pltpu.sync_copy(feats_hbm.at[pl.ds(wid * _ROWS_W * _NV, _ROWS_W * _NV)], buf)

    def body(i, carry):
        mn, mx = carry
        x = buf[pl.ds(i * _NV, _NV)]
        return jnp.minimum(mn, x), jnp.maximum(mx, x)

    mn0 = buf[pl.ds(0, _NV)]
    mn, mx = lax.fori_loop(1, _ROWS_W, body, (mn0, mn0))
    mm[pl.ds(0, _NV)] = mn
    mm[pl.ds(_NV, _NV)] = mx
    pltpu.sync_copy(mm, out_hbm.at[pl.ds(wid * 2 * _NV, 2 * _NV)])


@functools.partial(
    pl.kernel,
    out_type=(
        jax.ShapeDtypeStruct((_N * _NV,), jnp.int32),
        jax.ShapeDtypeStruct((_N * _NV,), jnp.float32),
    ),
    mesh=_mesh,
    compiler_params=pltpu.CompilerParams(needs_layout_passes=False),
    scratch_types=[
        pltpu.VMEM((_NW * 2 * _NV,), jnp.float32),
        pltpu.VMEM((_NB * _NV,), jnp.float32),
        pltpu.VMEM((_CHUNK * _NV,), jnp.float32),
        pltpu.VMEM((_CHUNK * _NV,), jnp.int32),
        pltpu.VMEM((_CHUNK * _NV,), jnp.float32),
    ],
)
def _map_k(feats_hbm, mm_hbm, bins_hbm, regs_hbm, pbuf, linbuf, xbuf, bbuf, rbuf):
    wid = _wid()
    base = wid * _ROWS_W * _NV
    pltpu.sync_copy(mm_hbm, pbuf)

    def red(i, carry):
        mn, mx = carry
        return (
            jnp.minimum(mn, pbuf[pl.ds(i * 2 * _NV, _NV)]),
            jnp.maximum(mx, pbuf[pl.ds(i * 2 * _NV + _NV, _NV)]),
        )

    fmin, fmax = lax.fori_loop(
        1, _NW, red, (pbuf[pl.ds(0, _NV)], pbuf[pl.ds(_NV, _NV)])
    )

    inv_div = jnp.float32(1.0) / jnp.float32(_NB - 1)
    inv_div_v = jnp.broadcast_to(inv_div, (_NV,))

    def lrow(j, _):
        tj = jnp.broadcast_to(j, (_NV,)).astype(jnp.float32) * inv_div_v
        linbuf[pl.ds(j * _NV, _NV)] = fmin * (jnp.float32(1.0) - tj) + fmax * tj
        return 0

    lax.fori_loop(0, _NB, lrow, 0)

    t1 = jnp.float32(1.0) * inv_div
    lin1 = fmin * (jnp.float32(1.0) - t1) + fmax * t1
    step = lin1 - fmin
    inv_step = jnp.float32(1.0) / step
    inv_delta = jnp.float32(_NB - 1) / (fmax - fmin)
    lane = lax.iota(jnp.int32, _NV)
    c127 = jnp.broadcast_to(jnp.int32(_NB - 1), (_NV,))
    thr = jnp.float32(5e-7)

    def chunk(ci, _):
        ebase = base + ci * _CHUNK * _NV
        pltpu.sync_copy(feats_hbm.at[pl.ds(ebase, _CHUNK * _NV)], xbuf)

        @plsc.parallel_loop(0, _CHUNK, unroll=4)
        def row(r):
            x = xbuf[pl.ds(r * _NV, _NV)]
            q = (x - fmin) * inv_delta
            a = jnp.minimum(q.astype(jnp.int32), c127)
            fa = a * _NV + lane
            ga = plsc.load_gather(linbuf, [fa])
            gn = plsc.load_gather(
                linbuf, [jnp.minimum(a + 1, c127) * _NV + lane]
            )
            ca = ga - x <= thr
            cn = (gn - x <= thr) & (a < c127)
            b = a + ca.astype(jnp.int32) + cn.astype(jnp.int32) - 1
            gb = plsc.load_gather(linbuf, [b * _NV + lane])
            bbuf[pl.ds(r * _NV, _NV)] = b
            rbuf[pl.ds(r * _NV, _NV)] = jnp.maximum(x - gb, jnp.float32(0.0)) * inv_step

        pltpu.sync_copy(bbuf, bins_hbm.at[pl.ds(ebase, _CHUNK * _NV)])
        pltpu.sync_copy(rbuf, regs_hbm.at[pl.ds(ebase, _CHUNK * _NV)])
        return 0

    lax.fori_loop(0, _NCHUNK, chunk, 0)


def kernel(feats):
    partials = _minmax_k(feats.reshape(-1))
    bins, regs = _map_k(feats.reshape(-1), partials)
    return bins.reshape(_N, _NV), regs.reshape(_N, _NV)

# --- scband reference (transcript-rebuilt; emitter-appended) ---
"""Pipeline reference for scband-quantizer-12584254177997 (READ-ONLY COPY).

The authoritative reference and input builder live on the scoring server;
editing this copy changes nothing except your own understanding.
"""

import jax, jax.numpy as jnp
import numpy as np

NBINS = 128
NVARS = 16
N = 200000


def setup_inputs(seed: int = 0) -> dict:
    key = jax.random.key(seed)
    feats = jax.random.normal(key, (N, NVARS), dtype=jnp.float32)
    return {"feats": feats}


def reference(feats):
    # setup path of the torch module: fmin/fmax computed from the batch
    fmin = feats.min(axis=0)
    fmax = feats.max(axis=0)
    bins_l = []
    regs_l = []
    for nv in range(NVARS):
        cur_min = fmin[nv]
        cur_max = fmax[nv]
        cur_lin = jnp.linspace(cur_min, cur_max, NBINS)
        cur_lin_step = cur_lin[1] - cur_lin[0]
        cur_var = feats[:, nv]
        # cur_lin_exp - cur_var_exp, broadcast to [N, NBINS]
        cur_diff = cur_lin[None, :] - cur_var[:, None]
        # np.around(..., decimals=6)
        cur_diff = jnp.round(cur_diff * 1e6) / 1e6
        # cur_diff[cur_diff > 0] = cur_diff.min()  (global min over the [N, NBINS] matrix)
        dmin = cur_diff.min()
        cur_diff = jnp.where(cur_diff > 0, dmin, cur_diff)
        # cur_diff.max(1)[1] -> argmax along bins axis
        cur_bin = jnp.argmax(cur_diff, axis=1)
        # residual relative to chosen bin edge
        cur_reg = cur_var - jnp.take(cur_lin, cur_bin)
        cur_reg = jnp.clip(cur_reg, 0.0)
        cur_reg = cur_reg / cur_lin_step
        bins_l.append(cur_bin)
        regs_l.append(cur_reg)
    bins = jnp.stack(bins_l, axis=1)
    regs = jnp.stack(regs_l, axis=1)
    return bins, regs

if __name__ == "__main__":
    import jax
    _d = setup_inputs()
    print(jax.jit(kernel)(*tuple(_d.values())))

</pallas_src>

<mosaic_0001>
#map = affine_map<(d0, d1) -> (0)>
module attributes {stable_mosaic.version = 14 : i64} {
  func.func @_minmax_k(%arg0: i32, %arg1: i32, %arg2: memref<3200000xf32, #tpu.memory_space<hbm>>, %arg3: memref<1024xf32, #tpu.memory_space<hbm>>, %arg4: memref<100000xf32, #tpu.memory_space<vmem>>, %arg5: memref<32xf32, #tpu.memory_space<vmem>>) attributes {dimension_semantics = [#tpu.dimension_semantics<core_parallel>, #tpu.dimension_semantics<subcore_parallel>], iteration_bounds = array<i64: 2, 16>, scalar_prefetch = 0 : i64, scratch_operands = 2 : i64, tpu.core_type = #tpu.core_type<sc_vector_subcore>, window_params = [{transform_indices = #map}, {transform_indices = #map}]} {
    %mul3A = arith.constant 2 : i32
    %mul3A_0 = arith.muli %arg1, %mul3A : i32
    %add3A = arith.addi %mul3A_0, %arg0 : i32
    %mul3A_1 = arith.constant 6250 : i32
    %mul3A_2 = arith.muli %add3A, %mul3A_1 : i32
    %mul3A_3 = arith.constant 16 : i32
    %mul3A_4 = arith.muli %mul3A_2, %mul3A_3 : i32
    "tpu.region"() ({
      %run_scoped3A = tpu.sem_alloc : memref<!tpu.dma_semaphore, #tpu.memory_space<semaphore_mem>>
      %dma_start3A = tpu.memref_slice %arg2[%mul3A_4] : memref<3200000xf32, #tpu.memory_space<hbm>> -> memref<100000xf32, #tpu.memory_space<hbm>>
      %dma_start3A_23 = tpu.memref_slice %arg2[%mul3A_4] : memref<3200000xf32, #tpu.memory_space<hbm>> -> memref<100000xf32, #tpu.memory_space<hbm>>
      tpu.enqueue_dma source(%dma_start3A_23 : memref<100000xf32, #tpu.memory_space<hbm>>) target(%arg4 : memref<100000xf32, #tpu.memory_space<vmem>>) target_semaphore(%run_scoped3A : memref<!tpu.dma_semaphore, #tpu.memory_space<semaphore_mem>>)
      %dma_wait3A = tpu.memref_slice %arg2[%mul3A_4] : memref<3200000xf32, #tpu.memory_space<hbm>> -> memref<100000xf32, #tpu.memory_space<hbm>>
      %dma_wait3A_24 = tpu.memref_slice %arg2[%mul3A_4] : memref<3200000xf32, #tpu.memory_space<hbm>> -> memref<100000xf32, #tpu.memory_space<hbm>>
      tpu.wait_dma2 semaphore(%run_scoped3A : memref<!tpu.dma_semaphore, #tpu.memory_space<semaphore_mem>>) src(%dma_wait3A_24 : memref<100000xf32, #tpu.memory_space<hbm>>) dst(%arg4 : memref<100000xf32, #tpu.memory_space<vmem>>)
      tpu.yield
    }) : () -> ()
    %get3A = arith.constant 0 : index
    %get3A_5 = tpu.vector_load %arg4[%get3A] {strides = array<i32>} : memref<100000xf32, #tpu.memory_space<vmem>>, vector<16xf32>,
    %get3A_6 = vector.shape_cast %get3A_5 : vector<16xf32> to vector<16xf32>
    %scan3A = arith.constant 1 : i32
    %scan3A_7 = arith.constant 6249 : i32
    %scan3A_8 = arith.addi %scan3A, %scan3A_7 : i32
    %scan3A_9 = arith.constant 1 : i32
    %scan3A_10:2 = scf.for %scan3A_23 = %scan3A to %scan3A_8 step %scan3A_9 iter_args(%scan3A_24 = %get3A_6, %scan3A_25 = %get3A_6) -> (vector<16xf32>, vector<16xf32>)  : i32 {
      %mul3A_26 = arith.constant 16 : i32
      %mul3A_27 = arith.muli %scan3A_23, %mul3A_26 : i32
      %get3A_28 = arith.index_cast %mul3A_27 : i32 to index
      %get3A_29 = tpu.vector_load %arg4[%get3A_28] {strides = array<i32>} : memref<100000xf32, #tpu.memory_space<vmem>>, vector<16xf32>,
      %get3A_30 = vector.shape_cast %get3A_29 : vector<16xf32> to vector<16xf32>
      %min3A = arith.minimumf %scan3A_24, %get3A_30 : vector<16xf32>
      %max3A = arith.maximumf %scan3A_25, %get3A_30 : vector<16xf32>
      scf.yield %min3A, %max3A : vector<16xf32>, vector<16xf32>
    }
    %scan3A_11 = arith.constant 6249 : i32
    %swap3A = arith.constant 0 : index
    %swap3A_12 = tpu.vector_load %arg5[%swap3A] {strides = array<i32>} : memref<32xf32, #tpu.memory_space<vmem>>, vector<16xf32>,
    %swap3A_13 = vector.shape_cast %swap3A_12 : vector<16xf32> to vector<16xf32>
    %swap3A_14 = vector.shape_cast %scan3A_10#0 : vector<16xf32> to vector<16xf32>
    tpu.vector_store %arg5[%swap3A], %swap3A_14 {strides = array<i32>} : memref<32xf32, #tpu.memory_space<vmem>>, vector<16xf32>,
    %swap3A_15 = arith.constant 16 : index
    %swap3A_16 = tpu.vector_load %arg5[%swap3A_15] {strides = array<i32>} : memref<32xf32, #tpu.memory_space<vmem>>, vector<16xf32>,
    %swap3A_17 = vector.shape_cast %swap3A_16 : vector<16xf32> to vector<16xf32>
    %swap3A_18 = vector.shape_cast %scan3A_10#1 : vector<16xf32> to vector<16xf32>
    tpu.vector_store %arg5[%swap3A_15], %swap3A_18 {strides = array<i32>} : memref<32xf32, #tpu.memory_space<vmem>>, vector<16xf32>,
    %mul3A_19 = arith.constant 2 : i32
    %mul3A_20 = arith.muli %add3A, %mul3A_19 : i32
    %mul3A_21 = arith.constant 16 : i32
    %mul3A_22 = arith.muli %mul3A_20, %mul3A_21 : i32
    "tpu.region"() ({
      %run_scoped3A = tpu.sem_alloc : memref<!tpu.dma_semaphore, #tpu.memory_space<semaphore_mem>>
      %dma_start3A = tpu.memref_slice %arg3[%mul3A_22] : memref<1024xf32, #tpu.memory_space<hbm>> -> memref<32xf32, #tpu.memory_space<hbm>>
      %dma_start3A_23 = tpu.memref_slice %arg3[%mul3A_22] : memref<1024xf32, #tpu.memory_space<hbm>> -> memref<32xf32, #tpu.memory_space<hbm>>
      tpu.enqueue_dma source(%arg5 : memref<32xf32, #tpu.memory_space<vmem>>) target(%dma_start3A_23 : memref<32xf32, #tpu.memory_space<hbm>>) target_semaphore(%run_scoped3A : memref<!tpu.dma_semaphore, #tpu.memory_space<semaphore_mem>>)
      %dma_wait3A = tpu.memref_slice %arg3[%mul3A_22] : memref<1024xf32, #tpu.memory_space<hbm>> -> memref<32xf32, #tpu.memory_space<hbm>>
      %dma_wait3A_24 = tpu.memref_slice %arg3[%mul3A_22] : memref<1024xf32, #tpu.memory_space<hbm>> -> memref<32xf32, #tpu.memory_space<hbm>>
      tpu.wait_dma2 semaphore(%run_scoped3A : memref<!tpu.dma_semaphore, #tpu.memory_space<semaphore_mem>>) src(%arg5 : memref<32xf32, #tpu.memory_space<vmem>>) dst(%dma_wait3A_24 : memref<32xf32, #tpu.memory_space<hbm>>)
      tpu.yield
    }) : () -> ()
    return
  }
}

#map = affine_map<(d0, d1) -> (0)>
module attributes {stable_mosaic.version = 14 : i64} {
  func.func @_map_k(%arg0: i32, %arg1: i32, %arg2: memref<3200000xf32, #tpu.memory_space<hbm>>, %arg3: memref<1024xf32, #tpu.memory_space<hbm>>, %arg4: memref<3200000xi32, #tpu.memory_space<hbm>>, %arg5: memref<3200000xf32, #tpu.memory_space<hbm>>, %arg6: memref<1024xf32, #tpu.memory_space<vmem>>, %arg7: memref<2048xf32, #tpu.memory_space<vmem>>, %arg8: memref<10000xf32, #tpu.memory_space<vmem>>, %arg9: memref<10000xi32, #tpu.memory_space<vmem>>, %arg10: memref<10000xf32, #tpu.memory_space<vmem>>) attributes {dimension_semantics = [#tpu.dimension_semantics<core_parallel>, #tpu.dimension_semantics<subcore_parallel>], iteration_bounds = array<i64: 2, 16>, scalar_prefetch = 0 : i64, scratch_operands = 5 : i64, tpu.core_type = #tpu.core_type<sc_vector_subcore>, window_params = [{transform_indices = #map}, {transform_indices = #map}, {transform_indices = #map}, {transform_indices = #map}]} {
    %mul3A = arith.constant 2 : i32
    %mul3A_0 = arith.muli %arg1, %mul3A : i32
    %add3A = arith.addi %mul3A_0, %arg0 : i32
    %mul3A_1 = arith.constant 6250 : i32
    %mul3A_2 = arith.muli %add3A, %mul3A_1 : i32
    %mul3A_3 = arith.constant 16 : i32
    %mul3A_4 = arith.muli %mul3A_2, %mul3A_3 : i32
    "tpu.region"() ({
      %run_scoped3A = tpu.sem_alloc : memref<!tpu.dma_semaphore, #tpu.memory_space<semaphore_mem>>
      tpu.enqueue_dma source(%arg3 : memref<1024xf32, #tpu.memory_space<hbm>>) target(%arg6 : memref<1024xf32, #tpu.memory_space<vmem>>) target_semaphore(%run_scoped3A : memref<!tpu.dma_semaphore, #tpu.memory_space<semaphore_mem>>)
      tpu.wait_dma2 semaphore(%run_scoped3A : memref<!tpu.dma_semaphore, #tpu.memory_space<semaphore_mem>>) src(%arg3 : memref<1024xf32, #tpu.memory_space<hbm>>) dst(%arg6 : memref<1024xf32, #tpu.memory_space<vmem>>)
      tpu.yield
    }) : () -> ()
    %get3A = arith.constant 0 : index
    %get3A_5 = tpu.vector_load %arg6[%get3A] {strides = array<i32>} : memref<1024xf32, #tpu.memory_space<vmem>>, vector<16xf32>,
    %get3A_6 = arith.constant 16 : index
    %get3A_7 = tpu.vector_load %arg6[%get3A_6] {strides = array<i32>} : memref<1024xf32, #tpu.memory_space<vmem>>, vector<16xf32>,
    %scan3A = arith.constant 1 : i32
    %scan3A_8 = arith.constant 31 : i32
    %scan3A_9 = arith.addi %scan3A, %scan3A_8 : i32
    %scan3A_10 = arith.constant 1 : i32
    %scan3A_11:2 = scf.for %scan3A_48 = %scan3A to %scan3A_9 step %scan3A_10 iter_args(%scan3A_49 = %get3A_5, %scan3A_50 = %get3A_7) -> (vector<16xf32>, vector<16xf32>)  : i32 {
      %mul3A_51 = arith.constant 2 : i32
      %mul3A_52 = arith.muli %scan3A_48, %mul3A_51 : i32
      %mul3A_53 = arith.constant 16 : i32
      %mul3A_54 = arith.muli %mul3A_52, %mul3A_53 : i32
      %get3A_55 = arith.index_cast %mul3A_54 : i32 to index
      %get3A_56 = tpu.vector_load %arg6[%get3A_55] {strides = array<i32>} : memref<1024xf32, #tpu.memory_space<vmem>>, vector<16xf32>,
      %min3A = arith.minimumf %scan3A_49, %get3A_56 : vector<16xf32>
      %mul3A_57 = arith.constant 2 : i32
      %mul3A_58 = arith.muli %scan3A_48, %mul3A_57 : i32
      %mul3A_59 = arith.constant 16 : i32
      %mul3A_60 = arith.muli %mul3A_58, %mul3A_59 : i32
      %add3A_61 = arith.constant 16 : i32
      %add3A_62 = arith.addi %mul3A_60, %add3A_61 : i32
      %get3A_63 = arith.index_cast %add3A_62 : i32 to index
      %get3A_64 = tpu.vector_load %arg6[%get3A_63] {strides = array<i32>} : memref<1024xf32, #tpu.memory_space<vmem>>, vector<16xf32>,
      %max3A = arith.maximumf %scan3A_50, %get3A_64 : vector<16xf32>
      scf.yield %min3A, %max3A : vector<16xf32>, vector<16xf32>
    }
    %scan3A_12 = arith.constant 31 : i32
    %div3A = arith.constant 1.000000e+00 : f32
    %div3A_13 = arith.constant 1.270000e+02 : f32
    %div3A_14 = arith.divf %div3A, %div3A_13 : f32
    %broadcast_in_dim3A = vector.broadcast %div3A_14 : f32 to vector<16xf32>
    %scan3A_15 = arith.constant 0 : i32
    %scan3A_16 = arith.constant 0 : i32
    %scan3A_17 = arith.constant 128 : i32
    %scan3A_18 = arith.addi %scan3A_16, %scan3A_17 : i32
    %scan3A_19 = arith.constant 1 : i32
    %scan3A_20 = scf.for %scan3A_48 = %scan3A_16 to %scan3A_18 step %scan3A_19 iter_args(%scan3A_49 = %scan3A_15) -> (i32)  : i32 {
      %broadcast_in_dim3A_50 = vector.broadcast %scan3A_48 : i32 to vector<16xi32>
      %convert_element_type3A = arith.sitofp %broadcast_in_dim3A_50 : vector<16xi32> to vector<16xf32>
      %mul3A_51 = arith.mulf %convert_element_type3A, %broadcast_in_dim3A : vector<16xf32>
      %sub3A_52 = arith.constant 1.000000e+00 : f32
      %sub3A_53 = vector.broadcast %sub3A_52 : f32 to vector<16xf32>
      %sub3A_54 = arith.subf %sub3A_53, %mul3A_51 : vector<16xf32>
      %mul3A_55 = arith.mulf %scan3A_11#0, %sub3A_54 : vector<16xf32>
      %mul3A_56 = arith.mulf %scan3A_11#1, %mul3A_51 : vector<16xf32>
      %add3A_57 = arith.addf %mul3A_55, %mul3A_56 : vector<16xf32>
      %mul3A_58 = arith.constant 16 : i32
      %mul3A_59 = arith.muli %scan3A_48, %mul3A_58 : i32
      %swap3A = arith.index_cast %mul3A_59 : i32 to index
      %swap3A_60 = tpu.vector_load %arg7[%swap3A] {strides = array<i32>} : memref<2048xf32, #tpu.memory_space<vmem>>, vector<16xf32>,
      tpu.vector_store %arg7[%swap3A], %add3A_57 {strides = array<i32>} : memref<2048xf32, #tpu.memory_space<vmem>>, vector<16xf32>,
      %scan3A_61 = arith.constant 0 : i32
      scf.yield %scan3A_61 : i32
    }
    %scan3A_21 = arith.constant 128 : i32
    %mul3A_22 = arith.constant 1.000000e+00 : f32
    %mul3A_23 = arith.mulf %mul3A_22, %div3A_14 : f32
    %sub3A = arith.constant 1.000000e+00 : f32
    %sub3A_24 = arith.subf %sub3A, %mul3A_23 : f32
    %mul3A_25 = vector.broadcast %sub3A_24 : f32 to vector<16xf32>
    %mul3A_26 = arith.mulf %scan3A_11#0, %mul3A_25 : vector<16xf32>
    %mul3A_27 = vector.broadcast %mul3A_23 : f32 to vector<16xf32>
    %mul3A_28 = arith.mulf %scan3A_11#1, %mul3A_27 : vector<16xf32>
    %add3A_29 = arith.addf %mul3A_26, %mul3A_28 : vector<16xf32>
    %sub3A_30 = arith.subf %add3A_29, %scan3A_11#0 : vector<16xf32>
    %div3A_31 = arith.constant 1.000000e+00 : f32
    %div3A_32 = vector.broadcast %div3A_31 : f32 to vector<16xf32>
    %div3A_33 = arith.divf %div3A_32, %sub3A_30 : vector<16xf32>
    %sub3A_34 = arith.subf %scan3A_11#1, %scan3A_11#0 : vector<16xf32>
    %div3A_35 = arith.constant 1.270000e+02 : f32
    %div3A_36 = vector.broadcast %div3A_35 : f32 to vector<16xf32>
    %div3A_37 = arith.divf %div3A_36, %sub3A_34 : vector<16xf32>
    %iota3A = tpu.iota {dimensions = array<i32: 0>} : vector<16xi32>
    %broadcast_in_dim3A_38 = arith.constant 127 : i32
    %broadcast_in_dim3A_39 = vector.broadcast %broadcast_in_dim3A_38 : i32 to vector<16xi32>
    %scan3A_40 = arith.constant 5.000000e-07 : f32
    %scan3A_41 = arith.constant 0 : i32
    %scan3A_42 = arith.constant 0 : i32
    %scan3A_43 = arith.constant 10 : i32
    %scan3A_44 = arith.addi %scan3A_42, %scan3A_43 : i32
    %scan3A_45 = arith.constant 1 : i32
    %scan3A_46 = scf.for %scan3A_48 = %scan3A_42 to %scan3A_44 step %scan3A_45 iter_args(%scan3A_49 = %scan3A_41) -> (i32)  : i32 {
      %mul3A_50 = arith.constant 625 : i32
      %mul3A_51 = arith.muli %scan3A_48, %mul3A_50 : i32
      %mul3A_52 = arith.constant 16 : i32
      %mul3A_53 = arith.muli %mul3A_51, %mul3A_52 : i32
      %add3A_54 = arith.addi %mul3A_4, %mul3A_53 : i32
      "tpu.region"() ({
        %run_scoped3A = tpu.sem_alloc : memref<!tpu.dma_semaphore, #tpu.memory_space<semaphore_mem>>
        %dma_start3A = tpu.memref_slice %arg2[%add3A_54] : memref<3200000xf32, #tpu.memory_space<hbm>> -> memref<10000xf32, #tpu.memory_space<hbm>>
        %dma_start3A_58 = tpu.memref_slice %arg2[%add3A_54] : memref<3200000xf32, #tpu.memory_space<hbm>> -> memref<10000xf32, #tpu.memory_space<hbm>>
        tpu.enqueue_dma source(%dma_start3A_58 : memref<10000xf32, #tpu.memory_space<hbm>>) target(%arg8 : memref<10000xf32, #tpu.memory_space<vmem>>) target_semaphore(%run_scoped3A : memref<!tpu.dma_semaphore, #tpu.memory_space<semaphore_mem>>)
        %dma_wait3A = tpu.memref_slice %arg2[%add3A_54] : memref<3200000xf32, #tpu.memory_space<hbm>> -> memref<10000xf32, #tpu.memory_space<hbm>>
        %dma_wait3A_59 = tpu.memref_slice %arg2[%add3A_54] : memref<3200000xf32, #tpu.memory_space<hbm>> -> memref<10000xf32, #tpu.memory_space<hbm>>
        tpu.wait_dma2 semaphore(%run_scoped3A : memref<!tpu.dma_semaphore, #tpu.memory_space<semaphore_mem>>) src(%dma_wait3A_59 : memref<10000xf32, #tpu.memory_space<hbm>>) dst(%arg8 : memref<10000xf32, #tpu.memory_space<vmem>>)
        tpu.yield
      }) : () -> ()
      %parallel_loop3A = arith.constant 0 : i32
      %parallel_loop3A_55 = arith.constant 625 : i32
      %parallel_loop3A_56 = arith.constant 1 : i32
      scf.for %parallel_loop3A_58 = %parallel_loop3A to %parallel_loop3A_55 step %parallel_loop3A_56  : i32 {
        %parallel_loop3A_59 = arith.constant 16 : i32
        %parallel_loop3A_60 = arith.muli %parallel_loop3A_58, %parallel_loop3A_59 : i32
        %parallel_loop3A_61 = arith.index_cast %parallel_loop3A_60 : i32 to index
        %parallel_loop3A_62 = tpu.vector_load %arg8[%parallel_loop3A_61] {strides = array<i32>} : memref<10000xf32, #tpu.memory_space<vmem>>, vector<16xf32>,
        %parallel_loop3A_63 = arith.subf %parallel_loop3A_62, %scan3A_11#0 : vector<16xf32>
        %parallel_loop3A_64 = arith.mulf %parallel_loop3A_63, %div3A_37 : vector<16xf32>
        %parallel_loop3A_65 = arith.fptosi %parallel_loop3A_64 : vector<16xf32> to vector<16xi32>
        %parallel_loop3A_66 = arith.minsi %parallel_loop3A_65, %broadcast_in_dim3A_39 : vector<16xi32>
        %parallel_loop3A_67 = arith.constant 16 : i32
        %parallel_loop3A_68 = vector.broadcast %parallel_loop3A_67 : i32 to vector<16xi32>
        %parallel_loop3A_69 = arith.muli %parallel_loop3A_66, %parallel_loop3A_68 : vector<16xi32>
        %parallel_loop3A_70 = arith.addi %parallel_loop3A_69, %iota3A : vector<16xi32>
        %parallel_loop3A_71 = tpu.vector_load_idx %arg7[%parallel_loop3A_70] : memref<2048xf32, #tpu.memory_space<vmem>>[vector<16xi32>], vector<16xf32>,
        %parallel_loop3A_72 = arith.constant 1 : i32
        %parallel_loop3A_73 = vector.broadcast %parallel_loop3A_72 : i32 to vector<16xi32>
        %parallel_loop3A_74 = arith.addi %parallel_loop3A_66, %parallel_loop3A_73 : vector<16xi32>
        %parallel_loop3A_75 = arith.minsi %parallel_loop3A_74, %broadcast_in_dim3A_39 : vector<16xi32>
        %parallel_loop3A_76 = arith.constant 16 : i32
        %parallel_loop3A_77 = vector.broadcast %parallel_loop3A_76 : i32 to vector<16xi32>
        %parallel_loop3A_78 = arith.muli %parallel_loop3A_75, %parallel_loop3A_77 : vector<16xi32>
        %parallel_loop3A_79 = arith.addi %parallel_loop3A_78, %iota3A : vector<16xi32>
        %parallel_loop3A_80 = tpu.vector_load_idx %arg7[%parallel_loop3A_79] : memref<2048xf32, #tpu.memory_space<vmem>>[vector<16xi32>], vector<16xf32>,
        %parallel_loop3A_81 = arith.subf %parallel_loop3A_71, %parallel_loop3A_62 : vector<16xf32>
        %parallel_loop3A_82 = vector.broadcast %scan3A_40 : f32 to vector<16xf32>
        %parallel_loop3A_83 = arith.cmpf ole, %parallel_loop3A_81, %parallel_loop3A_82 : vector<16xf32>
        %parallel_loop3A_84 = arith.subf %parallel_loop3A_80, %parallel_loop3A_62 : vector<16xf32>
        %parallel_loop3A_85 = vector.broadcast %scan3A_40 : f32 to vector<16xf32>
        %parallel_loop3A_86 = arith.cmpf ole, %parallel_loop3A_84, %parallel_loop3A_85 : vector<16xf32>
        %parallel_loop3A_87 = arith.cmpi slt, %parallel_loop3A_66, %broadcast_in_dim3A_39 : vector<16xi32>
        %parallel_loop3A_88 = arith.andi %parallel_loop3A_86, %parallel_loop3A_87 : vector<16xi1>
        %parallel_loop3A_89 = arith.extui %parallel_loop3A_83 : vector<16xi1> to vector<16xi32>
        %parallel_loop3A_90 = arith.addi %parallel_loop3A_66, %parallel_loop3A_89 : vector<16xi32>
        %parallel_loop3A_91 = arith.extui %parallel_loop3A_88 : vector<16xi1> to vector<16xi32>
        %parallel_loop3A_92 = arith.addi %parallel_loop3A_90, %parallel_loop3A_91 : vector<16xi32>
        %parallel_loop3A_93 = arith.constant 1 : i32
        %parallel_loop3A_94 = vector.broadcast %parallel_loop3A_93 : i32 to vector<16xi32>
        %parallel_loop3A_95 = arith.subi %parallel_loop3A_92, %parallel_loop3A_94 : vector<16xi32>
        %parallel_loop3A_96 = arith.constant 16 : i32
        %parallel_loop3A_97 = vector.broadcast %parallel_loop3A_96 : i32 to vector<16xi32>
        %parallel_loop3A_98 = arith.muli %parallel_loop3A_95, %parallel_loop3A_97 : vector<16xi32>
        %parallel_loop3A_99 = arith.addi %parallel_loop3A_98, %iota3A : vector<16xi32>
        %parallel_loop3A_100 = tpu.vector_load_idx %arg7[%parallel_loop3A_99] : memref<2048xf32, #tpu.memory_space<vmem>>[vector<16xi32>], vector<16xf32>,
        %parallel_loop3A_101 = arith.constant 16 : i32
        %parallel_loop3A_102 = arith.muli %parallel_loop3A_58, %parallel_loop3A_101 : i32
        %parallel_loop3A_103 = arith.index_cast %parallel_loop3A_102 : i32 to index
        %parallel_loop3A_104 = tpu.vector_load %arg9[%parallel_loop3A_103] {strides = array<i32>} : memref<10000xi32, #tpu.memory_space<vmem>>, vector<16xi32>,
        tpu.vector_store %arg9[%parallel_loop3A_103], %parallel_loop3A_95 {strides = array<i32>} : memref<10000xi32, #tpu.memory_space<vmem>>, vector<16xi32>,
        %parallel_loop3A_105 = arith.subf %parallel_loop3A_62, %parallel_loop3A_100 : vector<16xf32>
        %parallel_loop3A_106 = arith.constant 0.000000e+00 : f32
        %parallel_loop3A_107 = vector.broadcast %parallel_loop3A_106 : f32 to vector<16xf32>
        %parallel_loop3A_108 = arith.maximumf %parallel_loop3A_105, %parallel_loop3A_107 : vector<16xf32>
        %parallel_loop3A_109 = arith.mulf %parallel_loop3A_108, %div3A_33 : vector<16xf32>
        %parallel_loop3A_110 = arith.constant 16 : i32
        %parallel_loop3A_111 = arith.muli %parallel_loop3A_58, %parallel_loop3A_110 : i32
        %parallel_loop3A_112 = arith.index_cast %parallel_loop3A_111 : i32 to index
        %parallel_loop3A_113 = tpu.vector_load %arg10[%parallel_loop3A_112] {strides = array<i32>} : memref<10000xf32, #tpu.memory_space<vmem>>, vector<16xf32>,
        tpu.vector_store %arg10[%parallel_loop3A_112], %parallel_loop3A_109 {strides = array<i32>} : memref<10000xf32, #tpu.memory_space<vmem>>, vector<16xf32>,
      } {sc.loop_unroll_factor = 4 : i64, sc.parallel_access}
      "tpu.region"() ({
        %run_scoped3A = tpu.sem_alloc : memref<!tpu.dma_semaphore, #tpu.memory_space<semaphore_mem>>
        %dma_start3A = tpu.memref_slice %arg4[%add3A_54] : memref<3200000xi32, #tpu.memory_space<hbm>> -> memref<10000xi32, #tpu.memory_space<hbm>>
        %dma_start3A_58 = tpu.memref_slice %arg4[%add3A_54] : memref<3200000xi32, #tpu.memory_space<hbm>> -> memref<10000xi32, #tpu.memory_space<hbm>>
        tpu.enqueue_dma source(%arg9 : memref<10000xi32, #tpu.memory_space<vmem>>) target(%dma_start3A_58 : memref<10000xi32, #tpu.memory_space<hbm>>) target_semaphore(%run_scoped3A : memref<!tpu.dma_semaphore, #tpu.memory_space<semaphore_mem>>)
        %dma_wait3A = tpu.memref_slice %arg4[%add3A_54] : memref<3200000xi32, #tpu.memory_space<hbm>> -> memref<10000xi32, #tpu.memory_space<hbm>>
        %dma_wait3A_59 = tpu.memref_slice %arg4[%add3A_54] : memref<3200000xi32, #tpu.memory_space<hbm>> -> memref<10000xi32, #tpu.memory_space<hbm>>
        tpu.wait_dma2 semaphore(%run_scoped3A : memref<!tpu.dma_semaphore, #tpu.memory_space<semaphore_mem>>) src(%arg9 : memref<10000xi32, #tpu.memory_space<vmem>>) dst(%dma_wait3A_59 : memref<10000xi32, #tpu.memory_space<hbm>>)
        tpu.yield
      }) : () -> ()
      "tpu.region"() ({
        %run_scoped3A = tpu.sem_alloc : memref<!tpu.dma_semaphore, #tpu.memory_space<semaphore_mem>>
        %dma_start3A = tpu.memref_slice %arg5[%add3A_54] : memref<3200000xf32, #tpu.memory_space<hbm>> -> memref<10000xf32, #tpu.memory_space<hbm>>
        %dma_start3A_58 = tpu.memref_slice %arg5[%add3A_54] : memref<3200000xf32, #tpu.memory_space<hbm>> -> memref<10000xf32, #tpu.memory_space<hbm>>
        tpu.enqueue_dma source(%arg10 : memref<10000xf32, #tpu.memory_space<vmem>>) target(%dma_start3A_58 : memref<10000xf32, #tpu.memory_space<hbm>>) target_semaphore(%run_scoped3A : memref<!tpu.dma_semaphore, #tpu.memory_space<semaphore_mem>>)
        %dma_wait3A = tpu.memref_slice %arg5[%add3A_54] : memref<3200000xf32, #tpu.memory_space<hbm>> -> memref<10000xf32, #tpu.memory_space<hbm>>
        %dma_wait3A_59 = tpu.memref_slice %arg5[%add3A_54] : memref<3200000xf32, #tpu.memory_space<hbm>> -> memref<10000xf32, #tpu.memory_space<hbm>>
        tpu.wait_dma2 semaphore(%run_scoped3A : memref<!tpu.dma_semaphore, #tpu.memory_space<semaphore_mem>>) src(%arg10 : memref<10000xf32, #tpu.memory_space<vmem>>) dst(%dma_wait3A_59 : memref<10000xf32, #tpu.memory_space<hbm>>)
        tpu.yield
      }) : () -> ()
      %scan3A_57 = arith.constant 0 : i32
      scf.yield %scan3A_57 : i32
    }
    %scan3A_47 = arith.constant 10 : i32
    return
  }
}

</mosaic_0001>

<sc_bundles>
// kernel: kernel.4.cloned.1.call-start
scs
__scs_entry_jumppad:
0x0: {  	(pc) =	sbr.rel $0x88, $3  }
0x1: {  	(tag) =	ssettag $0x0;
	lr =	simm.s32 $0x1  }
0x2: {  	[smem:$0x3FA0] =	sst lr;
	_ =	strace $0xD0000000  }
0x3: {  	_ = 	snop  }
0x4: {  	_ = 	snop  }
0x5: {  	_ = 	snop  }
0x6: {  	_ = 	snop  }
0x7: {  	_ = 	snop  }
__scs_overlays_trampoline_lowered:
0x8: {  	[smem:$0x3FAF] =	sst s0  }
0x9: {  	[smem:$0x3FB0] =	sst s1  }
0xa: {  	[smem:$0x3FB1] =	sst s2  }
0xb: {  	[smem:$0x3FB2] =	sst s3  }
0xc: {  	[smem:$0x3FB3] =	sst s4  }
0xd: {  	[smem:$0x3FB4] =	sst s5  }
0xe: {  	[smem:$0x3FB5] =	sst s6  }
0xf: {  	[smem:$0x3FB6] =	sst s7  }
0x10: {  	[smem:$0x3FB7] =	sst s8  }
0x11: {  	[smem:$0x3FB8] =	sst s9;
	s0 =	simm.s32 @!p0 $0x0  }
0x12: {  	s1 =	sld [smem:$0x3F9E];
	s0 =	simm.s32 @p0 $0x1  }
0x13: {  	[smem:$0x3FB9] =	sst s0;
	s0 =	simm.s32 @!p1 $0x0  }
0x14: {  	s2 =	sld [smem:$0x3F9D];
	s0 =	simm.s32 @p1 $0x1  }
0x15: {  	[smem:$0x3FBA] =	sst s0;
	s0 =	simm.s32 @!p2 $0x0  }
0x16: {  	s3 =	sld [smem:$0x3FDB];
	s0 =	simm.s32 @p2 $0x1  }
0x17: {  	s4 =	simm.s32 $0x1BF5;
	[smem:$0x3FBC] =	sst s0  }
0x18: {  	s0 =	sld [smem:$0x3F9F];
	_ =	swait.ge [sflag:s4], $0x0  }
0x19: {  	s7 =	sld [smem:$0x3FA0]  }
0x1a: {  	s8 =	sadd.s32 $0xFFFFE003, lr  }
0x1b: {  	s9 =	sadd.s32 $0xFFFFFEF7, lr;
	s5 =	simm.s32 $0xFFFFFFFF;
	p2 =	slt.u32 s8, $0xFFFFF086  }
0x1c: {  	p1 =	slt.u32 s9, $0xF7A;
	s5 =	simm.s32 @!p2 $0x0  }
0x1d: {  	s5 =	simm.s32 @p1 $0x1;
	p0 =	seq.s32 s7, s2  }
0x1e: {  	s7 =	smul.u32 @!p0 $0xF7A, s2;
	p2 =	seq.s32 @!p0 s5, $0x0  }
0x1f: {  	s9 =	smul.u32 $0xF7A, s1;
	s8 =	simm.s32 @!p0 $0x1BF5;
	p2 =	por !p2, p0  }
0x20: {  	[sflag:s8] =	ssyncset.s32 @!p0 $0xFFFFF086;
	s6 =	sadd.s32 @!p0 s3, s7;
	s7 =	simm.s32 @!p0 $0x108  }
0x21: {  	s3 =	sadd.s32 s3, s9;
	s6 =	sadd.s32 @!p0 $0x88, s6;
	s7 =	simm.s32 @p2 $0x1082  }
0x22: {  	[simem:s7], [sflag:s8] =	dma.local @!p0 [hbm:s6], $0xF7A  }
0x23: {  	s9 =	sor.u32 $0xD0000000, s2;
	s6 =	simm.s32 $0x108;
	_ =	swait.ge @!p0 [sflag:s8], $0x0  }
0x24: {  	s3 =	sadd.s32 $0x88, s3;
	s6 =	simm.s32 @!p1 $0x1082;
	[sflag:s4] =	ssyncset.s32 $0xFFFFF086  }
0x25: {  	[simem:s6], [sflag:s4] =	dma.local [hbm:s3], $0xF7A  }
0x26: {  	[smem:$0x3FA0] =	sst s1;
	(tag) =	ssettag s2;
	_ =	strace s9  }
0x27: {  	s1 =	sld [smem:$0x3FB0]  }
0x28: {  	s2 =	sld [smem:$0x3FB1]  }
0x29: {  	s4 =	sld [smem:$0x3FB3]  }
0x2a: {  	p0 =	seq.s32 s5, $0x0;
	s5 =	sld [smem:$0x3FB4]  }
0x2b: {  	s6 =	sld [smem:$0x3FB5]  }
0x2c: {  	s7 =	sld [smem:$0x3FB6]  }
0x2d: {  	s3 =	simm.s32 $0x108;
	s8 =	sld [smem:$0x3FB7]  }
0x2e: {  	s3 =	simm.s32 @!p0 $0x1082;
	s9 =	sld [smem:$0x3FB8]  }
0x2f: {  	lr =	sadd.s32 s0, s3;
	s0 =	sld [smem:$0x3FAF]  }
0x30: {  	s3 =	sld [smem:$0x3FB2]  }
0x31: {  	[smem:$0x3FBB] =	sst s10  }
0x32: {  	s10 =	sld [smem:$0x3FB9];
	_ =	sdelay $0x3  }
0x33: {  	p0 =	seq.s32 s10, $0x1;
	s10 =	sld [smem:$0x3FBB];
	_ =	sdelay $0x3  }
0x34: {  	[smem:$0x3FBB] =	sst s10  }
0x35: {  	s10 =	sld [smem:$0x3FBA];
	_ =	sdelay $0x3  }
0x36: {  	p1 =	seq.s32 s10, $0x1;
	s10 =	sld [smem:$0x3FBB];
	_ =	sdelay $0x3  }
0x37: {  	[smem:$0x3FBB] =	sst s10  }
0x38: {  	s10 =	sld [smem:$0x3FBC]  }
0x39: {  	_ = 	snop;
	(pc) =	sbr.ind lr, $3  }
0x3a: {  	_ = 	snop  }
0x3b: {  	_ = 	snop  }
0x3c: {  	p2 =	seq.s32 s10, $0x1;
	s10 =	sld [smem:$0x3FBB]  }
0x3d: {  	_ =	shalt  }
0x3e: {  	_ =	shalt  }
0x3f: {  	_ =	shalt  }
0x40: {  	_ =	shalt  }
0x41: {  	_ =	shalt  }
0x42: {  	_ =	shalt  }
0x43: {  	_ =	shalt  }
0x44: {  	_ =	shalt  }
0x45: {  	_ =	shalt  }
0x46: {  	_ =	shalt  }
0x47: {  	_ =	shalt  }
0x48: {  	_ =	shalt  }
0x49: {  	_ =	shalt  }
0x4a: {  	_ =	shalt  }
0x4b: {  	_ =	shalt  }
0x4c: {  	_ =	shalt  }
0x4d: {  	_ =	shalt  }
0x4e: {  	_ =	shalt  }
0x4f: {  	_ =	shalt  }
0x50: {  	_ =	shalt  }
0x51: {  	_ =	shalt  }
0x52: {  	_ =	shalt  }
0x53: {  	_ =	shalt  }
0x54: {  	_ =	shalt  }
0x55: {  	_ =	shalt  }
0x56: {  	_ =	shalt  }
0x57: {  	_ =	shalt  }
0x58: {  	_ =	shalt  }
0x59: {  	_ =	shalt  }
0x5a: {  	_ =	shalt  }
0x5b: {  	_ =	shalt  }
0x5c: {  	_ =	shalt  }
0x5d: {  	_ =	shalt  }
0x5e: {  	_ =	shalt  }
0x5f: {  	_ =	shalt  }
0x60: {  	_ =	shalt  }
0x61: {  	_ =	shalt  }
0x62: {  	_ =	shalt  }
0x63: {  	_ =	shalt  }
0x64: {  	_ =	shalt  }
0x65: {  	_ =	shalt  }
0x66: {  	_ =	shalt  }
0x67: {  	_ =	shalt  }
0x68: {  	_ =	shalt  }
0x69: {  	_ =	shalt  }
0x6a: {  	_ =	shalt  }
0x6b: {  	_ =	shalt  }
0x6c: {  	_ =	shalt  }
0x6d: {  	_ =	shalt  }
0x6e: {  	_ =	shalt  }
0x6f: {  	_ =	shalt  }
0x70: {  	_ =	shalt  }
0x71: {  	_ =	shalt  }
0x72: {  	_ =	shalt  }
0x73: {  	_ =	shalt  }
0x74: {  	_ =	shalt  }
0x75: {  	_ =	shalt  }
0x76: {  	_ =	shalt  }
0x77: {  	_ =	shalt  }
0x78: {  	_ =	shalt  }
0x79: {  	_ =	shalt  }
0x7a: {  	_ =	shalt  }
0x7b: {  	_ =	shalt  }
0x7c: {  	_ =	shalt  }
0x7d: {  	_ =	shalt  }
0x7e: {  	_ =	shalt  }
0x7f: {  	_ =	shalt  }
0x80: {  	_ =	shalt  }
0x81: {  	_ =	shalt  }
0x82: {  	_ =	shalt  }
0x83: {  	_ =	shalt  }
0x84: {  	_ =	shalt  }
0x85: {  	_ =	shalt  }
0x86: {  	_ =	shalt  }
0x87: {  	_ =	shalt  }
.Lfunc_end0:
.L_simem_size_0:
called_computation_lowered:
.L_overlay_start_0:
0x88: {  	s2 =	sld [smem:$0x3FD9]  }
0x89: {  	s3 =	sld [smem:$0x3FFE];
	_ =	sdelay $0x1  }
0x8a: {  	s1 =	srdreg.scid  }
0x8b: {  	s0 =	sand.u32 $0x1, s1  }
0x8c: {  	s14 =	sshll.u32 s0, $0xA;
	s2 =	sadd.s32 s3, s2  }
0x8d: {  	s2 =	sadd.s32 s2, s14  }
0x8e: {  	[smem:$0x3FC7] =	sst s2  }
0x8f: {  	_ = 	snop  }
0x90: {  	s2 =	sld [smem:$0x3FD0];
	_ =	sdelay $0x2  }
0x91: {  	s15 =	simm.s32 $0xA;
	s4 =	simm.s32 $0x10  }
0x92: {  	[smem:s4], [sflag:s15] =	dma.local [hbm:s2], $0x1  }
0x93: {  	_ =	swait.eq [sflag:s15], $0x1  }
0x94: {  	[sflag:s15] =	ssyncset.done $0x0  }
0x95: {  	[sflag:s15] =	ssyncadd.s32 $0xFFFFFFFF  }
0x96: {  	s16 =	sld [smem:$0x11];
	(tm) =	ssettm $0x1  }
0x97: {  	s17 =	sld [smem:$0x3FFB];
	_ =	sdelay $0x3  }
0x98: {  	_ =	strace s17  }
0x99: {  	s3 =	sld [smem:$0x3FFC];
	_ =	sdelay $0x3  }
0x9a: {  	_ =	strace s3  }
0x9b: {  	s3 =	sld [smem:$0x3FFD];
	_ =	sdelay $0x3  }
0x9c: {  	_ =	strace s3  }
0x9d: {  	_ =	strace $0x8FFFFFFF  }
0x9e: {  	s18 =	sld [smem:$0x3FDB];
	_ =	sdelay $0x1  }
0x9f: {  	s19 =	simm.s32 $_scs_section_size  }
0xa0: {  	s5 =	simm.s32 $_size__tile_overlayer_lowered;
	s6 =	simm.s32 $_tile_overlayer_lowered  }
0xa1: {  	s22 =	simm.s32 $0x1BFF;
	s21 =	sshll.u32 s6, $0x1;
	s3 =	sadd.s32 s19, s18  }
0xa2: {  	s7 =	simm.s32 $0x0;
	s20 =	sshll.u32 s5, $0x1;
	s5 =	sadd.s32 s21, s3  }
0xa3: {  	[timem:s7], [sflag:s22] =	dma.local [hbm:s5], s20  }
0xa4: {  	_ =	swait.ge [sflag:s22], s20  }
0xa5: {  	s4 =	ssub.s32 $0x0, s20;
	[sflag:s22] =	ssyncset.done $0x0  }
0xa6: {  	[sflag:s22] =	ssyncadd.s32 s4;
	_ =	sdelay $0x1  }
0xa7: {  	s23 =	simm.s32 $0x1B8B  }
0xa8: {  	_ =	swait.ge [sflag:s23], $0x1  }
0xa9: {  	[sflag:s23] =	ssyncset.done $0x0  }
0xaa: {  	s25 =	simm.s32 $0x1B8E;
	s24 =	sld [smem:$0x3FFE];
	[sflag:s23] =	ssyncadd.s32 $0xFFFFFFFF  }
0xab: {  	s26 =	simm.s32 $execute0_lowered;
	[smem:$0x3FD2] =	sst s25  }
0xac: {  	s5 =	sshll.u32 s26, $0x1;
	_ =	strace $0x80000046;
	[dreg:$0x1] =	wrdreg $0xFFFFFFFF  }
0xad: {  	s28 =	simm.s32 $_size_execute0_lowered;
	s3 =	sadd.s32 s3, s5;
	[dreg:$0x0] =	wrdreg $0x0  }
0xae: {  	s5 =	sshll.u32 s28, $0x1;
	[dreg:$0x2] =	wrdreg s3  }
0xaf: {  	[dreg:$0x3] =	wrdreg s5  }
0xb0: {  	[dreg:$0x4] =	wrdreg $0xC0  }
0xb1: {  	_ =	task [dreg:s7], $0x5FFFF  }
0xb2: {  	[dreg:$0x1] =	wrdreg $0xFFFFFFFF  }
0xb3: {  	[dreg:$0x0] =	wrdreg $0x60  }
0xb4: {  	[dreg:$0x2] =	wrdreg s16  }
0xb5: {  	[dreg:$0x3] =	wrdreg s24  }
0xb6: {  	[dreg:$0x4] =	wrdreg $0x9  }
0xb7: {  	_ =	task.clear_ibuf [dreg:s7], $0x5FFFF;
	_ =	strace $0x90000046  }
0xb8: {  	s29 =	simm.s32 $0x9;
	_ =	strace $0x80000048  }
0xb9: {  	_ =	swait.ge [sflag:s29], $0x1  }
0xba: {  	[sflag:s29] =	ssyncadd.s32 $0xFFFFFFFF  }
0xbb: {  	_ =	strace $0x90000048  }
0xbc: {  	_ =	sfence  }
0xbd: {  	s30 =	sld [smem:$0x0];
	_ =	sdelay $0x2  }
0xbe: {  	s31 =	sshll.u32 s1, $0xD;
	s1 =	sshrl.u32 s1, $0x2  }
0xbf: {  	s3 =	sand.u32 $0x4000, s31;
	s1 =	sadd.s32 s1, s30  }
0xc0: {  	s0 =	sor.u32 s3, s0;
	s1 =	sshll.u32 s1, $0x11  }
0xc1: {  	s0 =	sor.u32 s1, s0  }
0xc2: {  	s0 =	sadd.s32 $0x8F2B, s0  }
0xc3: {  	[sflag:s0] =	ssyncadd.remote.s32 $0x1  }
0xc4: {  	_ =	sfence.sel $0xFFFF  }
0xc5: {  	[dreg:$0x0] =	wrdreg $0xFFFFFFFF;
	(pc) =	sbr.abs _section_cstart, $3  }
0xc6: {  	[dreg:$0x1] =	wrdreg $0xFFFFFFFF  }
0xc7: {  	_ =	task.clear_ibuf [dreg:s7], $0x2FFFF;
	_ =	strace $0x9FFFFFFF  }
0xc8: {  	(tm) =	ssettm $0x7FFFFFFF  }
0xc9: {  	_ =	shalt  }
tec
execute0_lowered:
.L_overlay_start_1:
0x0: {  	(tag) =	ssettag $0x1  }
0x1: {  	s3 =	rddreg [dreg:$0x0]  }
0x2: {  	s4 =	rddreg [dreg:$0x1]  }
0x3: {  	s0 =	rddreg [dreg:$0x2]  }
0x4: {  	s5 =	srdreg.scid;
	s1 =	stileid.u32  }
0x5: {  	s2 =	simm.s32 $0x0;
	s5 =	sand.u32 $0x1, s5;
	s6 =	sshll.u32 s1, $0x1  }
0x6: {  	[smem:$0x7FF] =	sst s2;
	s6 =	sor.u32 s5, s6;
	s5 =	ssub.s32 $0x2, s5  }
0x7: {  	s7 =	sshll.u32 s6, $0x2;
	s8 =	sshrl.u32 s5, $0x1;
	s6 =	smul.u32 $0x30D4, s6  }
0x8: {  	_ =	strace $0x80000047;
	s4 =	sadd.s32 s7, s4;
	s5 =	ssub.s32 s5, s8  }
0x9: {  	s7 =	simm.s32 $0x18700;
	s8 =	simm.s32 $0x0;
	s3 =	sadd.s32 s3, s6  }
0xa: {  	s4 =	sadd.s32 $0x1C00, s4;
	s5 =	smax.u32 s5, $0x1;
	s6 =	simm.s32 $0x1  }
.LBB2_1:
0xb: {  	[tilespmem:s2], [sflag:$0x1] =	stream.linear.gather [hbm4b:s3+s2], $0x186A0, $0x38;
	[tilespmem:$0x18780] =	vst v63  }
0xc: {  	_ =	swait.ge [sflag:s6], $0x186A0  }
0xd: {  	[sflag:s6] =	ssyncset.done $0x0  }
0xe: {  	[sflag:s6] =	ssyncadd.s32 $0xFFFE7960  }
0xf: {  	v0 =	vld [tilespmem:$0x0];
	_ =	sdelay $0x3  }
0x10: {  	s10 =	simm.s32 $0x10  }
0x11: {  	s9 =	simm.s32 $0x80;
	v2 =	vld [tilespmem:s10+$0x0];
	v1 =	vmov v0  }
.LBB2_2:
0x12: {  	p0 =	sne.s32 s9, $0x61A40  }
.Ltmp0:
0x13: {  	_ = 	snop;
	(pc) =	sbr.rel @p0 .LBB2_2-.Ltmp0, $3  }
0x14: {  	_ =	sdelay $0x1  }
0x15: {  	s10 =	sshra.s32 s9, $0x2;
	s9 =	sadd.s32 $0x40, s9;
	v0 =	vmin.f32 v0, v2;
	v1 =	vmax.f32 v1, v2  }
0x16: {  	v2 =	vld [tilespmem:s10+$0x0]  }
0x17: {  	_ =	sdelay $0x3  }
0x18: {  	s8 =	sadd.s32 $0x1, s8;
	v0 =	vmin.f32 v0, v2  }
0x19: {  	p0 =	sne.s32 s8, s5;
	v1 =	vmax.f32 v1, v2;
	[tilespmem:$0x18700] =	vst v0  }
.Ltmp1:
0x1a: {  	[tilespmem:$0x18710] =	vst v1;
	(pc) =	sbr.rel @p0 .LBB2_1-.Ltmp1, $4  }
0x1b: {  	[hbm4b:s4+s2] =	stream.linear.scatter [tilespmem:s7], [sflag:$0x1], $0x20, $0x38;
	[tilespmem:$0x18780] =	vst v63  }
0x1c: {  	_ =	swait.ge [sflag:s6], $0x20  }
0x1d: {  	[sflag:s6] =	ssyncset.done $0x0  }
0x1e: {  	[sflag:s6] =	ssyncadd.s32 $0xFFFFFFE0  }
0x1f: {  	_ =	sfence.sel $0x180000  }
0x20: {  	[bflag:$0x0] =	sbarrier.arrive $0xFFFF  }
0x21: {  	p0 =	sne.s32 s1, $0x0;
	_ =	strace $0x90000047  }
0x22: {  	s0 =	sadd.s32 @!p0 $0x100000, s0;
	[bflag:$0x2] =	sbarrier.arrive $0xFFFF  }
0x23: {  	[sflag:s0] =	ssyncadd.tile.s32 @!p0 $0x1;
	_ =	shalt  }
.Lfunc_end2:
_tile_overlayer_lowered:
.L_overlay_start_2:
0x24: {  	(tag) =	ssettag $0x2  }
0x25: {  	s0 =	rddreg [dreg:$0x0];
	s2 =	stileid.u32  }
0x26: {  	s1 =	rddreg [dreg:$0x1];
	p0 =	sne.s32 s2, $0x0  }
0x27: {  	s3 =	rddreg [dreg:$0x2];
	[bflag:$0x3] =	sbarrier.arrive $0xFFFF;
	s2 =	simm.s32 @!p0 $0x1C01  }
0x28: {  	[timem:s3], [sflag:s2] =	dma.local @!p0 [hbm:s0], s1  }
0x29: {  	s0 =	simm.s32 @!p0 $0x1  }
0x2a: {  	_ =	swait.ge @!p0 [sflag:s0], s1  }
0x2b: {  	s1 =	ssub.s32 @!p0 $0x0, s1;
	[sflag:s0] =	ssyncset.done @!p0 $0x0  }
0x2c: {  	[sflag:s0] =	ssyncadd.s32 @!p0 s1  }
0x2d: {  	[bflag:$0x3] =	sbarrier.arrive $0xFFFF  }
0x2e: {  	_ =	shalt  }

// kernel: kernel.7.cloned.1.call-start
scs
__scs_entry_jumppad:
0x0: {  	(pc) =	sbr.rel $0x88, $3  }
0x1: {  	(tag) =	ssettag $0x0;
	lr =	simm.s32 $0x1  }
0x2: {  	[smem:$0x3FA0] =	sst lr;
	_ =	strace $0xD0000000  }
0x3: {  	_ = 	snop  }
0x4: {  	_ = 	snop  }
0x5: {  	_ = 	snop  }
0x6: {  	_ = 	snop  }
0x7: {  	_ = 	snop  }
__scs_overlays_trampoline_lowered:
0x8: {  	[smem:$0x3FAF] =	sst s0  }
0x9: {  	[smem:$0x3FB0] =	sst s1  }
0xa: {  	[smem:$0x3FB1] =	sst s2  }
0xb: {  	[smem:$0x3FB2] =	sst s3  }
0xc: {  	[smem:$0x3FB3] =	sst s4  }
0xd: {  	[smem:$0x3FB4] =	sst s5  }
0xe: {  	[smem:$0x3FB5] =	sst s6  }
0xf: {  	[smem:$0x3FB6] =	sst s7  }
0x10: {  	[smem:$0x3FB7] =	sst s8  }
0x11: {  	[smem:$0x3FB8] =	sst s9;
	s0 =	simm.s32 @!p0 $0x0  }
0x12: {  	s1 =	sld [smem:$0x3F9E];
	s0 =	simm.s32 @p0 $0x1  }
0x13: {  	[smem:$0x3FB9] =	sst s0;
	s0 =	simm.s32 @!p1 $0x0  }
0x14: {  	s2 =	sld [smem:$0x3F9D];
	s0 =	simm.s32 @p1 $0x1  }
0x15: {  	[smem:$0x3FBA] =	sst s0;
	s0 =	simm.s32 @!p2 $0x0  }
0x16: {  	s3 =	sld [smem:$0x3FDB];
	s0 =	simm.s32 @p2 $0x1  }
0x17: {  	s4 =	simm.s32 $0x1BF5;
	[smem:$0x3FBC] =	sst s0  }
0x18: {  	s0 =	sld [smem:$0x3F9F];
	_ =	swait.ge [sflag:s4], $0x0  }
0x19: {  	s7 =	sld [smem:$0x3FA0]  }
0x1a: {  	s8 =	sadd.s32 $0xFFFFE003, lr  }
0x1b: {  	s9 =	sadd.s32 $0xFFFFFEF7, lr;
	s5 =	simm.s32 $0xFFFFFFFF;
	p2 =	slt.u32 s8, $0xFFFFF086  }
0x1c: {  	p1 =	slt.u32 s9, $0xF7A;
	s5 =	simm.s32 @!p2 $0x0  }
0x1d: {  	s5 =	simm.s32 @p1 $0x1;
	p0 =	seq.s32 s7, s2  }
0x1e: {  	s7 =	smul.u32 @!p0 $0xF7A, s2;
	p2 =	seq.s32 @!p0 s5, $0x0  }
0x1f: {  	s9 =	smul.u32 $0xF7A, s1;
	s8 =	simm.s32 @!p0 $0x1BF5;
	p2 =	por !p2, p0  }
0x20: {  	[sflag:s8] =	ssyncset.s32 @!p0 $0xFFFFF086;
	s6 =	sadd.s32 @!p0 s3, s7;
	s7 =	simm.s32 @!p0 $0x108  }
0x21: {  	s3 =	sadd.s32 s3, s9;
	s6 =	sadd.s32 @!p0 $0x88, s6;
	s7 =	simm.s32 @p2 $0x1082  }
0x22: {  	[simem:s7], [sflag:s8] =	dma.local @!p0 [hbm:s6], $0xF7A  }
0x23: {  	s9 =	sor.u32 $0xD0000000, s2;
	s6 =	simm.s32 $0x108;
	_ =	swait.ge @!p0 [sflag:s8], $0x0  }
0x24: {  	s3 =	sadd.s32 $0x88, s3;
	s6 =	simm.s32 @!p1 $0x1082;
	[sflag:s4] =	ssyncset.s32 $0xFFFFF086  }
0x25: {  	[simem:s6], [sflag:s4] =	dma.local [hbm:s3], $0xF7A  }
0x26: {  	[smem:$0x3FA0] =	sst s1;
	(tag) =	ssettag s2;
	_ =	strace s9  }
0x27: {  	s1 =	sld [smem:$0x3FB0]  }
0x28: {  	s2 =	sld [smem:$0x3FB1]  }
0x29: {  	s4 =	sld [smem:$0x3FB3]  }
0x2a: {  	p0 =	seq.s32 s5, $0x0;
	s5 =	sld [smem:$0x3FB4]  }
0x2b: {  	s6 =	sld [smem:$0x3FB5]  }
0x2c: {  	s7 =	sld [smem:$0x3FB6]  }
0x2d: {  	s3 =	simm.s32 $0x108;
	s8 =	sld [smem:$0x3FB7]  }
0x2e: {  	s3 =	simm.s32 @!p0 $0x1082;
	s9 =	sld [smem:$0x3FB8]  }
0x2f: {  	lr =	sadd.s32 s0, s3;
	s0 =	sld [smem:$0x3FAF]  }
0x30: {  	s3 =	sld [smem:$0x3FB2]  }
0x31: {  	[smem:$0x3FBB] =	sst s10  }
0x32: {  	s10 =	sld [smem:$0x3FB9];
	_ =	sdelay $0x3  }
0x33: {  	p0 =	seq.s32 s10, $0x1;
	s10 =	sld [smem:$0x3FBB];
	_ =	sdelay $0x3  }
0x34: {  	[smem:$0x3FBB] =	sst s10  }
0x35: {  	s10 =	sld [smem:$0x3FBA];
	_ =	sdelay $0x3  }
0x36: {  	p1 =	seq.s32 s10, $0x1;
	s10 =	sld [smem:$0x3FBB];
	_ =	sdelay $0x3  }
0x37: {  	[smem:$0x3FBB] =	sst s10  }
0x38: {  	s10 =	sld [smem:$0x3FBC]  }
0x39: {  	_ = 	snop;
	(pc) =	sbr.ind lr, $3  }
0x3a: {  	_ = 	snop  }
0x3b: {  	_ = 	snop  }
0x3c: {  	p2 =	seq.s32 s10, $0x1;
	s10 =	sld [smem:$0x3FBB]  }
0x3d: {  	_ =	shalt  }
0x3e: {  	_ =	shalt  }
0x3f: {  	_ =	shalt  }
0x40: {  	_ =	shalt  }
0x41: {  	_ =	shalt  }
0x42: {  	_ =	shalt  }
0x43: {  	_ =	shalt  }
0x44: {  	_ =	shalt  }
0x45: {  	_ =	shalt  }
0x46: {  	_ =	shalt  }
0x47: {  	_ =	shalt  }
0x48: {  	_ =	shalt  }
0x49: {  	_ =	shalt  }
0x4a: {  	_ =	shalt  }
0x4b: {  	_ =	shalt  }
0x4c: {  	_ =	shalt  }
0x4d: {  	_ =	shalt  }
0x4e: {  	_ =	shalt  }
0x4f: {  	_ =	shalt  }
0x50: {  	_ =	shalt  }
0x51: {  	_ =	shalt  }
0x52: {  	_ =	shalt  }
0x53: {  	_ =	shalt  }
0x54: {  	_ =	shalt  }
0x55: {  	_ =	shalt  }
0x56: {  	_ =	shalt  }
0x57: {  	_ =	shalt  }
0x58: {  	_ =	shalt  }
0x59: {  	_ =	shalt  }
0x5a: {  	_ =	shalt  }
0x5b: {  	_ =	shalt  }
0x5c: {  	_ =	shalt  }
0x5d: {  	_ =	shalt  }
0x5e: {  	_ =	shalt  }
0x5f: {  	_ =	shalt  }
0x60: {  	_ =	shalt  }
0x61: {  	_ =	shalt  }
0x62: {  	_ =	shalt  }
0x63: {  	_ =	shalt  }
0x64: {  	_ =	shalt  }
0x65: {  	_ =	shalt  }
0x66: {  	_ =	shalt  }
0x67: {  	_ =	shalt  }
0x68: {  	_ =	shalt  }
0x69: {  	_ =	shalt  }
0x6a: {  	_ =	shalt  }
0x6b: {  	_ =	shalt  }
0x6c: {  	_ =	shalt  }
0x6d: {  	_ =	shalt  }
0x6e: {  	_ =	shalt  }
0x6f: {  	_ =	shalt  }
0x70: {  	_ =	shalt  }
0x71: {  	_ =	shalt  }
0x72: {  	_ =	shalt  }
0x73: {  	_ =	shalt  }
0x74: {  	_ =	shalt  }
0x75: {  	_ =	shalt  }
0x76: {  	_ =	shalt  }
0x77: {  	_ =	shalt  }
0x78: {  	_ =	shalt  }
0x79: {  	_ =	shalt  }
0x7a: {  	_ =	shalt  }
0x7b: {  	_ =	shalt  }
0x7c: {  	_ =	shalt  }
0x7d: {  	_ =	shalt  }
0x7e: {  	_ =	shalt  }
0x7f: {  	_ =	shalt  }
0x80: {  	_ =	shalt  }
0x81: {  	_ =	shalt  }
0x82: {  	_ =	shalt  }
0x83: {  	_ =	shalt  }
0x84: {  	_ =	shalt  }
0x85: {  	_ =	shalt  }
0x86: {  	_ =	shalt  }
0x87: {  	_ =	shalt  }
.Lfunc_end0:
.L_simem_size_0:
called_computation.1_lowered:
.L_overlay_start_0:
0x88: {  	s2 =	sld [smem:$0x3FD9]  }
0x89: {  	s3 =	sld [smem:$0x3FFE];
	_ =	sdelay $0x1  }
0x8a: {  	s1 =	srdreg.scid  }
0x8b: {  	s0 =	sand.u32 $0x1, s1  }
0x8c: {  	s14 =	sshll.u32 s0, $0xA;
	s2 =	sadd.s32 s3, s2  }
0x8d: {  	s2 =	sadd.s32 s2, s14  }
0x8e: {  	[smem:$0x3FC7] =	sst s2  }
0x8f: {  	_ = 	snop  }
0x90: {  	s2 =	sld [smem:$0x3FD0];
	_ =	sdelay $0x2  }
0x91: {  	s15 =	simm.s32 $0xA;
	s4 =	simm.s32 $0x10  }
0x92: {  	[smem:s4], [sflag:s15] =	dma.local [hbm:s2], $0x1  }
0x93: {  	_ =	swait.eq [sflag:s15], $0x1  }
0x94: {  	[sflag:s15] =	ssyncset.done $0x0  }
0x95: {  	s16 =	sld [smem:$0x10];
	[sflag:s15] =	ssyncadd.s32 $0xFFFFFFFF  }
0x96: {  	s17 =	sld [smem:$0x11];
	(tm) =	ssettm $0x1  }
0x97: {  	s18 =	sld [smem:$0x3FFB];
	_ =	sdelay $0x3  }
0x98: {  	_ =	strace s18  }
0x99: {  	s4 =	sld [smem:$0x3FFC];
	_ =	sdelay $0x3  }
0x9a: {  	_ =	strace s4  }
0x9b: {  	s4 =	sld [smem:$0x3FFD];
	_ =	sdelay $0x3  }
0x9c: {  	_ =	strace s4  }
0x9d: {  	_ =	strace $0x8FFFFFFF  }
0x9e: {  	s19 =	sld [smem:$0x3FDB];
	_ =	sdelay $0x1  }
0x9f: {  	s5 =	simm.s32 $_scs_section_size  }
0xa0: {  	s6 =	simm.s32 $_size__tile_overlayer_lowered;
	s7 =	simm.s32 $_tile_overlayer_lowered  }
0xa1: {  	s22 =	simm.s32 $0x1BFF;
	s21 =	sshll.u32 s7, $0x1;
	s4 =	sadd.s32 s5, s19  }
0xa2: {  	s8 =	simm.s32 $0x0;
	s20 =	sshll.u32 s6, $0x1;
	s6 =	sadd.s32 s21, s4  }
0xa3: {  	[timem:s8], [sflag:s22] =	dma.local [hbm:s6], s20  }
0xa4: {  	_ =	swait.ge [sflag:s22], s20  }
0xa5: {  	s5 =	ssub.s32 $0x0, s20;
	[sflag:s22] =	ssyncset.done $0x0  }
0xa6: {  	[sflag:s22] =	ssyncadd.s32 s5;
	_ =	sdelay $0x1  }
0xa7: {  	s23 =	simm.s32 $0x1B8B  }
0xa8: {  	_ =	swait.ge [sflag:s23], $0x1  }
0xa9: {  	[sflag:s23] =	ssyncset.done $0x0  }
0xaa: {  	s25 =	simm.s32 $0x1B8E;
	s24 =	sld [smem:$0x3FFE];
	[sflag:s23] =	ssyncadd.s32 $0xFFFFFFFF  }
0xab: {  	s26 =	simm.s32 $execute0_lowered;
	[smem:$0x3FD2] =	sst s25  }
0xac: {  	s6 =	sshll.u32 s26, $0x1;
	_ =	strace $0x80000049;
	[dreg:$0x1] =	wrdreg $0xFFFFFFFF  }
0xad: {  	s28 =	simm.s32 $_size_execute0_lowered;
	s4 =	sadd.s32 s4, s6;
	[dreg:$0x0] =	wrdreg $0x0  }
0xae: {  	s6 =	sshll.u32 s28, $0x1;
	[dreg:$0x2] =	wrdreg s4  }
0xaf: {  	[dreg:$0x3] =	wrdreg s6  }
0xb0: {  	[dreg:$0x4] =	wrdreg $0xC0  }
0xb1: {  	_ =	task [dreg:s8], $0x5FFFF  }
0xb2: {  	[dreg:$0x1] =	wrdreg $0xFFFFFFFF  }
0xb3: {  	[dreg:$0x0] =	wrdreg $0x60  }
0xb4: {  	[dreg:$0x2] =	wrdreg s17  }
0xb5: {  	[dreg:$0x3] =	wrdreg s24  }
0xb6: {  	[dreg:$0x4] =	wrdreg s16  }
0xb7: {  	[dreg:$0x5] =	wrdreg $0x9  }
0xb8: {  	_ =	task.clear_ibuf [dreg:s8], $0x6FFFF;
	_ =	strace $0x90000049  }
0xb9: {  	s29 =	simm.s32 $0x9;
	_ =	strace $0x8000004B  }
0xba: {  	_ =	swait.ge [sflag:s29], $0x1  }
0xbb: {  	[sflag:s29] =	ssyncadd.s32 $0xFFFFFFFF  }
0xbc: {  	_ =	strace $0x9000004B  }
0xbd: {  	_ =	sfence  }
0xbe: {  	s30 =	sld [smem:$0x0];
	_ =	sdelay $0x2  }
0xbf: {  	s31 =	sshll.u32 s1, $0xD;
	s1 =	sshrl.u32 s1, $0x2  }
0xc0: {  	s3 =	sand.u32 $0x4000, s31;
	s1 =	sadd.s32 s1, s30  }
0xc1: {  	s0 =	sor.u32 s3, s0;
	s1 =	sshll.u32 s1, $0x11  }
0xc2: {  	s0 =	sor.u32 s1, s0  }
0xc3: {  	s0 =	sadd.s32 $0x8F2B, s0  }
0xc4: {  	[sflag:s0] =	ssyncadd.remote.s32 $0x1  }
0xc5: {  	_ =	sfence.sel $0xFFFF  }
0xc6: {  	[dreg:$0x0] =	wrdreg $0xFFFFFFFF;
	(pc) =	sbr.abs _section_cstart, $3  }
0xc7: {  	[dreg:$0x1] =	wrdreg $0xFFFFFFFF  }
0xc8: {  	_ =	task.clear_ibuf [dreg:s8], $0x2FFFF;
	_ =	strace $0x9FFFFFFF  }
0xc9: {  	(tm) =	ssettm $0x7FFFFFFF  }
tec
execute0_lowered:
.L_overlay_start_1:
0x0: {  	(tag) =	ssettag $0x1  }
0x1: {  	s1 =	rddreg [dreg:$0x0]  }
0x2: {  	s6 =	rddreg [dreg:$0x1]  }
0x3: {  	s2 =	rddreg [dreg:$0x2];
	s3 =	srdreg.scid  }
0x4: {  	s0 =	rddreg [dreg:$0x3];
	s4 =	simm.s32 $0x0;
	s11 =	simm.s32 $0x400  }
0x5: {  	s12 =	simm.s32 $0x3380;
	s13 =	simm.s32 $0x5B00;
	s14 =	simm.s32 $0x0  }
0x6: {  	s7 =	sand.u32 $0x1, s3;
	[smem:$0x7FF] =	sst s4;
	s3 =	stileid.u32  }
0x7: {  	s5 =	sadd.s32 $0x1C00, s6;
	s6 =	sadd.s32 $0x1E00, s6;
	s8 =	ssub.s32 $0x2, s7  }
0x8: {  	_ =	strace $0x8000004A;
	s10 =	sshll.u32 s3, $0x1;
	s9 =	sshrl.u32 s8, $0x1  }
0x9: {  	v0 =	vlaneseq.u32;
	s7 =	sor.u32 s7, s10;
	s10 =	simm.s32 $0xC00;
	s8 =	ssub.s32 s8, s9  }
0xa: {  	v2 =	vimm.s32 $0x0;
	v1 =	vor.u32 $0x10, v0;
	s7 =	smul.u32 $0x186A0, s7;
	s9 =	simm.s32 $0x1;
	s8 =	smax.u32 s8, $0x1  }
.LBB2_1:
0xb: {  	[tilespmem:s4], [sflag:$0x1] =	stream.linear.gather [hbm4b:s5+s4], $0x400, $0x38;
	[tilespmem:$0x8280] =	vst v63  }
0xc: {  	_ =	swait.ge [sflag:s9], $0x400  }
0xd: {  	[sflag:s9] =	ssyncset.done $0x0  }
0xe: {  	[sflag:s9] =	ssyncadd.s32 $0xFFFFFC00  }
0xf: {  	v3 =	vld [tilespmem:$0x0]  }
0x10: {  	s16 =	simm.s32 $0x0;
	v4 =	vld [tilespmem:$0x10]  }
0x11: {  	v5 =	vld [tilespmem:s16+$0x30]  }
0x12: {  	s15 =	simm.s32 $0x80;
	v6 =	vld [tilespmem:s16+$0x20]  }
.LBB2_2:
0x13: {  	p0 =	sne.s32 s15, $0xF00  }
.Ltmp0:
0x14: {  	_ = 	snop;
	(pc) =	sbr.rel @p0 .LBB2_2-.Ltmp0, $4  }
0x15: {  	_ = 	snop  }
0x16: {  	s16 =	sshra.s32 s15, $0x2;
	s15 =	sadd.s32 $0x80, s15;
	v4 =	vmax.f32 v4, v5  }
0x17: {  	v5 =	vld [tilespmem:s16+$0x30];
	v3 =	vmin.f32 v3, v6  }
0x18: {  	v6 =	vld [tilespmem:s16+$0x20]  }
0x19: {  	s15 =	simm.s32 $0x0  }
0x1a: {  	v7 =	vmov s15  }
0x1b: {  	v7 =	vcvt.s32.f32 v7  }
0x1c: {  	s30 =	simm.s32 $0x1  }
0x1d: {  	v8 =	vmov s30;
	v7 =	vmul.f32 $7.874015710e-03, v7  }
0x1e: {  	v8 =	vcvt.s32.f32 v8  }
0x1f: {  	v7 =	vbroadcast v7, $0x0  }
0x20: {  	v3 =	vmin.f32 v3, v6;
	v6 =	vmul.f32 $7.874015710e-03, v8  }
0x21: {  	v9 =	vsub.f32 $1.000000000e+00, v7  }
0x22: {  	s31 =	simm.s32 $0x2;
	v4 =	vmax.f32 v4, v5;
	v63 =	vbroadcast v6, $0x0  }
0x23: {  	v8 =	vmov s31;
	v7 =	vmul.f32 v7, v4;
	v5 =	vmul.f32 v9, v3  }
0x24: {  	v6 =	vcvt.s32.f32 v8  }
0x25: {  	v8 =	vsub.f32 $1.000000000e+00, v63;
	v7 =	vadd.f32 v5, v7  }
0x26: {  	s15 =	simm.s32 $0x400;
	v5 =	vmul.f32 $7.874015710e-03, v6  }
0x27: {  	s16 =	simm.s32 $0x3;
	v6 =	vmul.f32 v8, v3;
	[tilespmem:s15+$0x0] =	vst v7;
	v7 =	vmul.f32 v63, v4  }
.LBB2_4:
0x28: {  	p0 =	sne.s32 s16, $0x7F  }
.Ltmp1:
0x29: {  	v8 =	vmov s16;
	v9 =	vbroadcast v5, $0x0;
	v5 =	vadd.f32 v6, v7;
	(pc) =	sbr.rel @p0 .LBB2_4-.Ltmp1, $4  }
0x2a: {  	s16 =	sadd.s32 $0x1, s16;
	s15 =	sadd.s32 $0x10, s15;
	v6 =	vcvt.s32.f32 v8  }
0x2b: {  	v7 =	vsub.f32 $1.000000000e+00, v9;
	[tilespmem:s15+$0x0] =	vst v5  }
0x2c: {  	v5 =	vmul.f32 $7.874015710e-03, v6  }
0x2d: {  	v6 =	vmul.f32 v7, v3;
	v7 =	vmul.f32 v9, v4  }
0x2e: {  	v8 =	vmul.f32 $9.921259880e-01, v3;
	v9 =	vmul.f32 $7.874015710e-03, v4;
	_ =	sdelay $0x1  }
0x2f: {  	v8 =	vadd.f32 v9, v8;
	_ =	sdelay $0x1  }
0x30: {  	v8 =	vsub.f32 v8, v3  }
0x31: {  	v62 =	vsub.f32 v4, v3  }
0x32: {  	(erf) = vrcp.f32 v8  }
0x33: {  	(erf) = vrcp.f32 v62;
	_ =	sdelay $0x1  }
0x34: {  	v5 =	vbroadcast v5, $0x0;
	_ =	sdelay $0x1  }
0x35: {  	v63 =	vsub.f32 $1.000000000e+00, v5  }
0x36: {  	v6 =	vadd.f32 v6, v7  }
0x37: {  	v5 =	vmul.f32 v5, v4;
	v8 =	vmul.f32 v63, v3;
	_ =	sdelay $0x1  }
0x38: {  	s15 =	sadd.s32 $0x10, s15;
	v5 =	vadd.f32 v8, v5;
	v4 =	vpop (erf)  }
0x39: {  	[tilespmem:s15+$0x0] =	vst v6;
	s15 =	sadd.s32 $0x10, s15;
	v6 =	vpop (erf)  }
0x3a: {  	[tilespmem:s15+$0x0] =	vst v5;
	s15 =	simm.s32 $0x0;
	v5 =	vmul.f32 $1.270000000e+02, v6  }
.LBB2_6:
0x3b: {  	s16 =	smul.u32 $0x2710, s15;
	_ =	sdelay $0x1  }
0x3c: {  	s16 =	sadd.s32 s7, s16  }
0x3d: {  	s16 =	sshrl.u32 s16, $0x3  }
0x3e: {  	s17 =	sadd.s32 s1, s16  }
0x3f: {  	[tilespmem:s10], [sflag:$0x1] =	stream.linear.gather [hbm4b:s17+s4], $0x2710, $0x38;
	[tilespmem:$0x8280] =	vst v63  }
0x40: {  	_ =	swait.ge [sflag:s9], $0x2710  }
0x41: {  	[sflag:s9] =	ssyncset.done $0x0  }
0x42: {  	s29 =	simm.s32 $0xC20;
	[sflag:s9] =	ssyncadd.s32 $0xFFFFD8F0  }
0x43: {  	v9 =	vld [tilespmem:s29+$0x10]  }
0x44: {  	v15 =	vld [tilespmem:s29+$0xFFFFFFF0]  }
0x45: {  	v14 =	vld [tilespmem:s29+$0x0]  }
0x46: {  	v16 =	vld [tilespmem:s29+$0xFFFFFFE0];
	_ =	sdelay $0x2  }
0x47: {  	v6 =	vsub.f32 v9, v3  }
0x48: {  	v7 =	vsub.f32 v15, v3;
	v8 =	vsub.f32 v14, v3  }
0x49: {  	v10 =	vsub.f32 v16, v3;
	v6 =	vmul.f32 v6, v5  }
0x4a: {  	v7 =	vmul.f32 v7, v5;
	v8 =	vmul.f32 v8, v5  }
0x4b: {  	v10 =	vmul.f32 v10, v5;
	v6 =	vtrunc.f32 v6  }
0x4c: {  	v7 =	vtrunc.f32 v7;
	v8 =	vtrunc.f32 v8  }
0x4d: {  	v10 =	vtrunc.f32 v10;
	v6 =	vcvt.f32.s32 v6  }
0x4e: {  	v10 =	vcvt.f32.s32 v10;
	v7 =	vcvt.f32.s32 v7  }
0x4f: {  	v8 =	vcvt.f32.s32 v8;
	vm3 =	vlt.s32 v6, $0x7F;
	vm0 =	vlt.s32 v6, $0x7E  }
0x50: {  	vm1 =	vlt.s32 v10, $0x7F;
	vm4 =	vlt.s32 v10, $0x7E;
	v11 =	vnsel vm3, $0x7F, v6  }
0x51: {  	vm2 =	vlt.s32 v8, $0x7F;
	v6 =	vnsel vm0, $0x7E, v6;
	v12 =	vshll.u32 v11, $0x4  }
0x52: {  	vm6 =	vlt.s32 v8, $0x7E;
	v6 =	vshll.u32 v6, $0x4;
	v12 =	vor.u32 v0, v12  }
0x53: {  	v13 =	vnsel vm1, $0x7F, v10;
	v10 =	vnsel vm4, $0x7E, v10;
	v6 =	vadd.s32 v1, v6  }
0x54: {  	v19 =	vnsel vm2, $0x7F, v8;
	v8 =	vnsel vm6, $0x7E, v8;
	v10 =	vshll.u32 v10, $0x4  }
0x55: {  	vm0 =	vlt.s32 v7, $0x7F;
	v8 =	vshll.u32 v8, $0x4;
	v10 =	vadd.s32 v1, v10  }
0x56: {  	v18 =	vnsel vm0, $0x7F, v7;
	v17 =	vshll.u32 v13, $0x4;
	v8 =	vadd.s32 v1, v8  }
0x57: {  	vm5 =	vlt.s32 v7, $0x7E;
	v20 =	vshll.u32 v18, $0x4;
	v17 =	vor.u32 v0, v17;
	v12 =	vld.idx.msk [tilespmem:v12+s11+$0x0], $0xffff  }
0x58: {  	v21 =	vshll.u32 v19, $0x4;
	v7 =	vnsel vm5, $0x7E, v7;
	v20 =	vor.u32 v0, v20;
	v6 =	vld.idx.msk [tilespmem:v6+s11+$0x0], $0xffff  }
0x59: {  	v21 =	vor.u32 v0, v21;
	v7 =	vshll.u32 v7, $0x4  }
0x5a: {  	v7 =	vadd.s32 v1, v7;
	v10 =	vld.idx.msk [tilespmem:v10+s11+$0x0], $0xffff  }
0x5b: {  	v8 =	vld.idx.msk [tilespmem:v8+s11+$0x0], $0xffff  }
0x5c: {  	v17 =	vld.idx.msk [tilespmem:v17+s11+$0x0], $0xffff;
	v12 =	vsub.f32 v12, v9  }
0x5d: {  	v22 =	vld.idx.msk [tilespmem:v20+s11+$0x0], $0xffff;
	v6 =	vsub.f32 v6, v9  }
0x5e: {  	v21 =	vld.idx.msk [tilespmem:v21+s11+$0x0], $0xffff;
	vm4 =	vle.f32 v12, $4.999999990e-07  }
0x5f: {  	v10 =	vsub.f32 v10, v16;
	vm5 =	vle.f32 v6, $4.999999990e-07;
	v6 =	vld.idx.msk [tilespmem:v7+s11+$0x0], $0xffff;
	vm4 =	vmneg vm4  }
0x60: {  	v8 =	vsub.f32 v8, v14;
	vm3 =	vmand vm5, vm3;
	v7 =	vsel vm4, $0xFFFFFFFF, v2  }
0x61: {  	v12 =	vsel vm3, $0x1, v2;
	v7 =	vadd.s32 v7, v11;
	v11 =	vsub.f32 v17, v16  }
0x62: {  	s30 =	simm.s32 $0xC60;
	vm6 =	vle.f32 v10, $4.999999990e-07;
	v20 =	vadd.s32 v12, v7;
	v7 =	vsub.f32 v22, v15  }
0x63: {  	vm1 =	vmand vm6, vm1;
	v17 =	vld [tilespmem:s30+$0x10];
	v12 =	vshll.u32 v20, $0x4;
	vm3 =	vle.f32 v11, $4.999999990e-07  }
0x64: {  	v11 =	vsub.f32 v21, v14;
	v21 =	vsub.f32 v6, v15;
	vm4 =	vle.f32 v7, $4.999999990e-07  }
0x65: {  	v6 =	vld [tilespmem:s30+$0xFFFFFFF0];
	v12 =	vor.u32 v0, v12;
	vm3 =	vmneg vm3;
	vm4 =	vmneg vm4  }
0x66: {  	v7 =	vld [tilespmem:s30+$0x0];
	vm5 =	vle.f32 v11, $4.999999990e-07;
	v10 =	vsel vm3, $0xFFFFFFFF, v2;
	vm3 =	vle.f32 v21, $4.999999990e-07  }
0x67: {  	vm5 =	vmneg vm5;
	v11 =	vsel vm4, $0xFFFFFFFF, v2;
	vm4 =	vle.f32 v8, $4.999999990e-07  }
0x68: {  	v8 =	vld [tilespmem:s30+$0xFFFFFFE0];
	v10 =	vadd.s32 v10, v13;
	v13 =	vsub.f32 v17, v3;
	vm0 =	vmand vm3, vm0  }
0x69: {  	v21 =	vsel vm5, $0xFFFFFFFF, v2;
	vm2 =	vmand vm4, vm2;
	v11 =	vadd.s32 v11, v18  }
0x6a: {  	v18 =	vadd.s32 v21, v19;
	v19 =	vsub.f32 v6, v3;
	v13 =	vmul.f32 v13, v5  }
0x6b: {  	v23 =	vsel vm0, $0x1, v2;
	v21 =	vsel vm1, $0x1, v2;
	v22 =	vsub.f32 v7, v3  }
0x6c: {  	v25 =	vsel vm2, $0x1, v2;
	v19 =	vmul.f32 v19, v5;
	v13 =	vtrunc.f32 v13  }
0x6d: {  	v24 =	vsub.f32 v8, v3;
	v26 =	vmul.f32 v22, v5;
	v13 =	vcvt.f32.s32 v13  }
0x6e: {  	v22 =	vadd.s32 v21, v10;
	v21 =	vadd.s32 v23, v11;
	v11 =	vld.idx.msk [tilespmem:v12+s11+$0x0], $0xffff;
	v12 =	vtrunc.f32 v19  }
0x6f: {  	v10 =	vmul.f32 v24, v5;
	v19 =	vtrunc.f32 v26;
	vm3 =	vlt.s32 v13, $0x7F  }
0x70: {  	vm0 =	vlt.s32 v13, $0x7E;
	v12 =	vcvt.f32.s32 v12;
	v24 =	vnsel vm3, $0x7F, v13  }
0x71: {  	v13 =	vnsel vm0, $0x7E, v13;
	v19 =	vcvt.f32.s32 v19;
	v10 =	vtrunc.f32 v10  }
0x72: {  	v23 =	vshll.u32 v24, $0x4;
	v13 =	vshll.u32 v13, $0x4;
	vm1 =	vlt.s32 v12, $0x7F  }
0x73: {  	vm5 =	vlt.s32 v12, $0x7E;
	v10 =	vcvt.f32.s32 v10;
	v23 =	vor.u32 v0, v23  }
0x74: {  	v13 =	vadd.s32 v1, v13;
	v9 =	vsub.f32 v9, v11;
	v27 =	vnsel vm1, $0x7F, v12  }
0x75: {  	vm2 =	vlt.s32 v19, $0x7F;
	vm6 =	vlt.s32 v19, $0x7E;
	v12 =	vnsel vm5, $0x7E, v12  }
0x76: {  	v28 =	vnsel vm2, $0x7F, v19;
	v29 =	vshll.u32 v27, $0x4;
	v19 =	vnsel vm6, $0x7E, v19  }
0x77: {  	v12 =	vshll.u32 v12, $0x4;
	vm0 =	vlt.s32 v10, $0x7F;
	vm4 =	vlt.s32 v10, $0x7E  }
0x78: {  	v29 =	vor.u32 v0, v29;
	v12 =	vadd.s32 v1, v12;
	v26 =	vnsel vm0, $0x7F, v10  }
0x79: {  	v9 =	vmax.f32 v9, $0.0e+00;
	v10 =	vnsel vm4, $0x7E, v10;
	v11 =	vshll.u32 v26, $0x4  }
0x7a: {  	v10 =	vshll.u32 v10, $0x4;
	v30 =	vld.idx.msk [tilespmem:v23+s11+$0x0], $0xffff;
	v11 =	vor.u32 v0, v11;
	v23 =	vshll.u32 v28, $0x4  }
0x7b: {  	v13 =	vld.idx.msk [tilespmem:v13+s11+$0x0], $0xffff;
	v10 =	vadd.s32 v1, v10;
	v31 =	vor.u32 v0, v23;
	v23 =	vadd.s32 v25, v18  }
0x7c: {  	v18 =	vshll.u32 v19, $0x4;
	v25 =	vmul.f32 v9, v4;
	v9 =	vshll.u32 v22, $0x4  }
0x7d: {  	v18 =	vadd.s32 v1, v18;
	v29 =	vld.idx.msk [tilespmem:v29+s11+$0x0], $0xffff;
	v53 =	vor.u32 v0, v9;
	v9 =	vshll.u32 v21, $0x4  }
0x7e: {  	v32 =	vor.u32 v0, v9;
	v9 =	vld.idx.msk [tilespmem:v12+s11+$0x0], $0xffff  }
0x7f: {  	v11 =	vld.idx.msk [tilespmem:v11+s11+$0x0], $0xffff;
	v19 =	vsub.f32 v30, v17  }
0x80: {  	v13 =	vsub.f32 v13, v17;
	v10 =	vld.idx.msk [tilespmem:v10+s11+$0x0], $0xffff  }
0x81: {  	v31 =	vld.idx.msk [tilespmem:v31+s11+$0x0], $0xffff;
	vm4 =	vle.f32 v19, $4.999999990e-07  }
0x82: {  	vm5 =	vle.f32 v13, $4.999999990e-07;
	v13 =	vld.idx.msk [tilespmem:v18+s11+$0x0], $0xffff;
	vm4 =	vmneg vm4  }
0x83: {  	v19 =	vshll.u32 v23, $0x4;
	v30 =	vld.idx.msk [tilespmem:v53+s11+$0x0], $0xffff;
	vm3 =	vmand vm5, vm3;
	v12 =	vsel vm4, $0xFFFFFFFF, v2  }
0x84: {  	v32 =	vld.idx.msk [tilespmem:v32+s11+$0x0], $0xffff;
	v18 =	vsel vm3, $0x1, v2;
	v12 =	vadd.s32 v12, v24;
	v11 =	vsub.f32 v11, v8  }
0x85: {  	v24 =	vor.u32 v0, v19;
	v10 =	vsub.f32 v10, v8;
	v33 =	vadd.s32 v18, v12  }
0x86: {  	v19 =	vsub.f32 v9, v6;
	v12 =	vsub.f32 v29, v6;
	v18 =	vshll.u32 v33, $0x4  }
0x87: {  	vm3 =	vle.f32 v11, $4.999999990e-07;
	v11 =	vsub.f32 v31, v7;
	vm6 =	vle.f32 v10, $4.999999990e-07  }
0x88: {  	s31 =	simm.s32 $0xCA0;
	v16 =	vsub.f32 v16, v30;
	v18 =	vor.u32 v0, v18;
	vm4 =	vle.f32 v12, $4.999999990e-07  }
0x89: {  	vm3 =	vmneg vm3;
	v12 =	vld [tilespmem:s31+$0x10];
	vm0 =	vmand vm6, vm0;
	v15 =	vsub.f32 v15, v32  }
0x8a: {  	v9 =	vld [tilespmem:s31+$0xFFFFFFF0];
	vm4 =	vmneg vm4;
	vm5 =	vle.f32 v11, $4.999999990e-07;
	v11 =	vsub.f32 v13, v7  }
0x8b: {  	v10 =	vld [tilespmem:s31+$0x0];
	v13 =	vsel vm3, $0xFFFFFFFF, v2;
	vm3 =	vle.f32 v19, $4.999999990e-07;
	vm5 =	vmneg vm5  }
0x8c: {  	v19 =	vsel vm4, $0xFFFFFFFF, v2;
	v13 =	vadd.s32 v13, v26;
	vm4 =	vle.f32 v11, $4.999999990e-07;
	v11 =	vld [tilespmem:s31+$0xFFFFFFE0]  }
0x8d: {  	vm1 =	vmand vm3, vm1;
	v29 =	vsel vm5, $0xFFFFFFFF, v2;
	v19 =	vadd.s32 v19, v27;
	v18 =	vld.idx.msk [tilespmem:v18+s11+$0x0], $0xffff  }
0x8e: {  	v54 =	vsel vm1, $0x1, v2;
	vm2 =	vmand vm4, vm2;
	v26 =	vsub.f32 v12, v3  }
0x8f: {  	v27 =	vadd.s32 v29, v28;
	v28 =	vsub.f32 v9, v3;
	v29 =	vsel vm0, $0x1, v2  }
0x90: {  	v34 =	vsub.f32 v10, v3;
	v35 =	vsel vm2, $0x1, v2;
	v26 =	vmul.f32 v26, v5  }
0x91: {  	v29 =	vadd.s32 v29, v13;
	v13 =	vadd.s32 v54, v19;
	v28 =	vmul.f32 v28, v5  }
0x92: {  	v19 =	vsub.f32 v11, v3;
	v26 =	vtrunc.f32 v26;
	v17 =	vsub.f32 v17, v18  }
0x93: {  	v55 =	vadd.s32 v35, v27;
	v18 =	vmul.f32 v34, v5;
	v26 =	vcvt.f32.s32 v26  }
0x94: {  	v27 =	vtrunc.f32 v28;
	v19 =	vmul.f32 v19, v5;
	v17 =	vmax.f32 v17, $0.0e+00  }
0x95: {  	v24 =	vld.idx.msk [tilespmem:v24+s11+$0x0], $0xffff;
	v18 =	vtrunc.f32 v18;
	vm3 =	vlt.s32 v26, $0x7F;
	vm0 =	vlt.s32 v26, $0x7E  }
0x96: {  	v28 =	vmul.f32 v17, v4;
	v17 =	vtrunc.f32 v19;
	v56 =	vnsel vm3, $0x7F, v26  }
0x97: {  	v19 =	vnsel vm0, $0x7E, v26;
	v57 =	vcvt.f32.s32 v17;
	v17 =	vshll.u32 v56, $0x4  }
0x98: {  	v26 =	vcvt.f32.s32 v27;
	v27 =	vor.u32 v0, v17;
	v17 =	vshll.u32 v19, $0x4  }
0x99: {  	v16 =	vmax.f32 v16, $0.0e+00;
	v36 =	vcvt.f32.s32 v18;
	v37 =	vadd.s32 v1, v17  }
0x9a: {  	v63 =	vmax.f32 v15, $0.0e+00;
	v58 =	vshll.u32 v29, $0x4;
	v14 =	vsub.f32 v14, v24  }
0x9b: {  	vm0 =	vlt.s32 v26, $0x7F;
	vm2 =	vlt.s32 v36, $0x7F;
	vm1 =	vlt.s32 v57, $0x7F  }
0x9c: {  	vm5 =	vlt.s32 v26, $0x7E;
	vm4 =	vlt.s32 v57, $0x7E;
	v18 =	vnsel vm1, $0x7F, v57  }
0x9d: {  	v17 =	vnsel vm0, $0x7F, v26;
	v19 =	vnsel vm2, $0x7F, v36;
	v38 =	vshll.u32 v18, $0x4;
	v27 =	vld.idx.msk [tilespmem:v27+s11+$0x0], $0xffff  }
0x9e: {  	v26 =	vnsel vm5, $0x7E, v26;
	v39 =	vshll.u32 v17, $0x4;
	v38 =	vor.u32 v0, v38;
	v37 =	vld.idx.msk [tilespmem:v37+s11+$0x0], $0xffff  }
0x9f: {  	v35 =	vnsel vm4, $0x7E, v57;
	v40 =	vshll.u32 v19, $0x4;
	v39 =	vor.u32 v0, v39  }
0xa0: {  	s18 =	simm.s32 $0x33A0;
	vm4 =	vlt.s32 v36, $0x7E;
	v35 =	vshll.u32 v35, $0x4;
	v40 =	vor.u32 v0, v40  }
0xa1: {  	s17 =	simm.s32 $0x5B20;
	[tilespmem:s18+$0x10] =	vst v20;
	v26 =	vshll.u32 v26, $0x4;
	v36 =	vnsel vm4, $0x7E, v36;
	v35 =	vadd.s32 v1, v35  }
0xa2: {  	[tilespmem:s17+$0x10] =	vst v25;
	v20 =	vadd.s32 v1, v26;
	v36 =	vshll.u32 v36, $0x4;
	v27 =	vsub.f32 v27, v12  }
0xa3: {  	[tilespmem:s18+$0xFFFFFFE0] =	vst v22;
	v22 =	vshll.u32 v55, $0x4;
	v26 =	vadd.s32 v1, v36;
	v24 =	vld.idx.msk [tilespmem:v38+s11+$0x0], $0xffff;
	v59 =	vsub.f32 v37, v12  }
0xa4: {  	[tilespmem:s18+$0xFFFFFFF0] =	vst v21;
	v30 =	vor.u32 v0, v58;
	v61 =	vor.u32 v0, v22;
	v22 =	vld.idx.msk [tilespmem:v39+s11+$0x0], $0xffff;
	vm4 =	vle.f32 v27, $4.999999990e-07  }
0xa5: {  	[tilespmem:s18+$0x0] =	vst v23;
	s18 =	simm.s32 $0x33E0;
	v25 =	vshll.u32 v13, $0x4;
	v27 =	vld.idx.msk [tilespmem:v40+s11+$0x0], $0xffff;
	vm4 =	vmneg vm4;
	vm5 =	vle.f32 v59, $4.999999990e-07  }
0xa6: {  	s19 =	simm.s32 $0x5B60;
	[tilespmem:s18+$0x10] =	vst v33;
	v60 =	vor.u32 v0, v25;
	v62 =	vld.idx.msk [tilespmem:v35+s11+$0x0], $0xffff;
	vm3 =	vmand vm5, vm3;
	v21 =	vsel vm4, $0xFFFFFFFF, v2  }
0xa7: {  	v14 =	vmax.f32 v14, $0.0e+00;
	[tilespmem:s19+$0x10] =	vst v28;
	v23 =	vld.idx.msk [tilespmem:v20+s11+$0x0], $0xffff;
	v15 =	vsel vm3, $0x1, v2;
	v20 =	vadd.s32 v21, v56  }
0xa8: {  	v25 =	vld.idx.msk [tilespmem:v26+s11+$0x0], $0xffff;
	v24 =	vsub.f32 v24, v11;
	v21 =	vadd.s32 v15, v20;
	v20 =	vmul.f32 v16, v4  }
0xa9: {  	v28 =	vsub.f32 v22, v9;
	v22 =	vmul.f32 v63, v4;
	v15 =	vld.idx.msk [tilespmem:v30+s11+$0x0], $0xffff;
	[tilespmem:s18+$0xFFFFFFE0] =	vst v29;
	v16 =	vshll.u32 v21, $0x4  }
0xaa: {  	vm3 =	vle.f32 v24, $4.999999990e-07;
	v26 =	vsub.f32 v27, v10;
	v24 =	vor.u32 v0, v16;
	v16 =	vld.idx.msk [tilespmem:v61+s11+$0x0], $0xffff;
	[tilespmem:s17+$0xFFFFFFE0] =	vst v20  }
0xab: {  	s21 =	simm.s32 $0x8;
	s22 =	simm.s32 $0xCE0;
	s20 =	simm.s32 $0x5B60;
	vm4 =	vle.f32 v28, $4.999999990e-07;
	vm3 =	vmneg vm3;
	v27 =	vsub.f32 v62, v11;
	v20 =	vld.idx.msk [tilespmem:v60+s11+$0x0], $0xffff;
	[tilespmem:s18+$0x0] =	vst v55  }
.LBB2_7:
0xac: {  	v28 =	vld [tilespmem:s22+$0x10];
	s21 =	sadd.s32 $0x4, s21;
	vm4 =	vmneg vm4;
	v29 =	vsub.f32 v23, v9;
	vm5 =	vle.f32 v26, $4.999999990e-07;
	[tilespmem:s17+$0xFFFFFFF0] =	vst v22  }
0xad: {  	v25 =	vsub.f32 v25, v10;
	v23 =	vld [tilespmem:s22+$0xFFFFFFF0];
	p0 =	slt.u32 s21, $0x26C;
	vm6 =	vle.f32 v27, $4.999999990e-07;
	vm5 =	vmneg vm5;
	[tilespmem:s18+$0xFFFFFFF0] =	vst v13  }
0xae: {  	v13 =	vsel vm3, $0xFFFFFFFF, v2;
	v26 =	vsel vm4, $0xFFFFFFFF, v2;
	v22 =	vld [tilespmem:s22+$0x0];
	vm3 =	vle.f32 v29, $4.999999990e-07  }
0xaf: {  	vm1 =	vmand vm6, vm1;
	vm4 =	vle.f32 v25, $4.999999990e-07;
	v25 =	vsel vm5, $0xFFFFFFFF, v2;
	v27 =	vld.idx.msk [tilespmem:v24+s11+$0x0], $0xffff  }
0xb0: {  	v13 =	vadd.s32 v13, v18;
	vm0 =	vmand vm3, vm0;
	vm2 =	vmand vm4, vm2;
	v24 =	vld [tilespmem:s22+$0xFFFFFFE0]  }
0xb1: {  	v17 =	vadd.s32 v26, v17;
	v19 =	vadd.s32 v25, v19;
	v18 =	vsub.f32 v28, v3  }
0xb2: {  	v26 =	vsel vm1, $0x1, v2;
	v29 =	vsel vm0, $0x1, v2;
	v25 =	vsub.f32 v23, v3  }
0xb3: {  	v31 =	vsel vm2, $0x1, v2;
	v30 =	vsub.f32 v22, v3;
	v18 =	vmul.f32 v18, v5  }
0xb4: {  	v26 =	vadd.s32 v26, v13;
	v13 =	vadd.s32 v29, v17;
	v25 =	vmul.f32 v25, v5  }
0xb5: {  	v27 =	vsub.f32 v12, v27;
	v12 =	vmovc v28;
	v17 =	vsub.f32 v24, v3;
	v18 =	vtrunc.f32 v18  }
0xb6: {  	v29 =	vadd.s32 v31, v19;
	v28 =	vmul.f32 v30, v5;
	v18 =	vcvt.f32.s32 v18  }
0xb7: {  	v19 =	vtrunc.f32 v25;
	v25 =	vmax.f32 v27, $0.0e+00;
	v17 =	vmul.f32 v17, v5  }
0xb8: {  	s18 =	sadd.s32 $0x40, s18;
	v27 =	vtrunc.f32 v28;
	v25 =	vmul.f32 v25, v4;
	vm3 =	vlt.s32 v18, $0x7F  }
0xb9: {  	s19 =	sadd.s32 $0x40, s19;
	vm0 =	vlt.s32 v18, $0x7E;
	v17 =	vtrunc.f32 v17;
	v28 =	vnsel vm3, $0x7F, v18;
	[tilespmem:s18+$0x10] =	vst v21  }
0xba: {  	v18 =	vnsel vm0, $0x7E, v18;
	v21 =	vcvt.f32.s32 v17;
	v17 =	vshll.u32 v28, $0x4;
	[tilespmem:s19+$0x10] =	vst v25  }
0xbb: {  	v25 =	vcvt.f32.s32 v19;
	v30 =	vor.u32 v0, v17;
	v17 =	vshll.u32 v18, $0x4  }
0xbc: {  	v27 =	vcvt.f32.s32 v27;
	vm1 =	vlt.s32 v21, $0x7F;
	v31 =	vadd.s32 v1, v17  }
0xbd: {  	vm4 =	vlt.s32 v21, $0x7E;
	vm0 =	vlt.s32 v25, $0x7F;
	v18 =	vnsel vm1, $0x7F, v21  }
0xbe: {  	vm2 =	vlt.s32 v27, $0x7F;
	vm5 =	vlt.s32 v25, $0x7E;
	v17 =	vnsel vm0, $0x7F, v25  }
0xbf: {  	vm6 =	vlt.s32 v27, $0x7E;
	v19 =	vnsel vm2, $0x7F, v27;
	v32 =	vshll.u32 v18, $0x4  }
0xc0: {  	v34 =	vshll.u32 v19, $0x4;
	v21 =	vnsel vm4, $0x7E, v21;
	v33 =	vshll.u32 v17, $0x4;
	v30 =	vld.idx.msk [tilespmem:v30+s11+$0x0], $0xffff  }
0xc1: {  	v27 =	vnsel vm6, $0x7E, v27;
	v25 =	vnsel vm5, $0x7E, v25;
	v32 =	vor.u32 v0, v32;
	v31 =	vld.idx.msk [tilespmem:v31+s11+$0x0], $0xffff  }
0xc2: {  	v34 =	vor.u32 v0, v34;
	v21 =	vshll.u32 v21, $0x4;
	v33 =	vor.u32 v0, v33  }
0xc3: {  	v27 =	vshll.u32 v27, $0x4;
	v25 =	vshll.u32 v25, $0x4;
	v21 =	vadd.s32 v1, v21  }
0xc4: {  	v35 =	vshll.u32 v26, $0x4;
	v27 =	vadd.s32 v1, v27;
	v25 =	vadd.s32 v1, v25  }
0xc5: {  	v35 =	vor.u32 v0, v35;
	v36 =	vshll.u32 v13, $0x4;
	v37 =	vshll.u32 v29, $0x4  }
0xc6: {  	v36 =	vor.u32 v0, v36;
	v37 =	vor.u32 v0, v37;
	v30 =	vsub.f32 v30, v12;
	v32 =	vld.idx.msk [tilespmem:v32+s11+$0x0], $0xffff  }
0xc7: {  	v14 =	vmul.f32 v14, v4;
	v38 =	vsub.f32 v8, v15;
	v31 =	vsub.f32 v31, v12;
	v33 =	vld.idx.msk [tilespmem:v33+s11+$0x0], $0xffff  }
0xc8: {  	v15 =	vsub.f32 v6, v20;
	v6 =	vmovc v9;
	v16 =	vsub.f32 v7, v16;
	vm4 =	vle.f32 v30, $4.999999990e-07;
	v34 =	vld.idx.msk [tilespmem:v34+s11+$0x0], $0xffff  }
0xc9: {  	v20 =	vmax.f32 v38, $0.0e+00;
	v7 =	vmovc v10;
	v9 =	vmovc v23;
	vm4 =	vmneg vm4;
	vm5 =	vle.f32 v31, $4.999999990e-07;
	v30 =	vld.idx.msk [tilespmem:v21+s11+$0x0], $0xffff;
	[tilespmem:s17+$0x0] =	vst v14;
	s17 =	smov.u32 s20;
	s20 =	smov.u32 s19  }
0xca: {  	v8 =	vmovc v11;
	v10 =	vmovc v22;
	v31 =	vmax.f32 v15, $0.0e+00;
	vm3 =	vmand vm5, vm3;
	v14 =	vsel vm4, $0xFFFFFFFF, v2;
	v23 =	vld.idx.msk [tilespmem:v25+s11+$0x0], $0xffff  }
.Ltmp2:
0xcb: {  	v11 =	vmovc v24;
	v15 =	vsel vm3, $0x1, v2;
	v21 =	vadd.s32 v14, v28;
	v14 =	vmax.f32 v16, $0.0e+00;
	v25 =	vld.idx.msk [tilespmem:v27+s11+$0x0], $0xffff;
	(pc) =	sbr.rel @p0 .LBB2_7-.Ltmp2, $4  }
0xcc: {  	v16 =	vsub.f32 v32, v11;
	v21 =	vadd.s32 v15, v21;
	v27 =	vmul.f32 v20, v4;
	v15 =	vld.idx.msk [tilespmem:v35+s11+$0x0], $0xffff  }
0xcd: {  	v22 =	vmul.f32 v31, v4;
	v28 =	vsub.f32 v33, v9;
	v24 =	vshll.u32 v21, $0x4;
	[tilespmem:s18+$0xFFFFFFE0] =	vst v26;
	v20 =	vld.idx.msk [tilespmem:v36+s11+$0x0], $0xffff  }
0xce: {  	vm3 =	vle.f32 v16, $4.999999990e-07;
	v26 =	vsub.f32 v34, v10;
	v24 =	vor.u32 v0, v24;
	v16 =	vld.idx.msk [tilespmem:v37+s11+$0x0], $0xffff;
	[tilespmem:s17+$0xFFFFFFE0] =	vst v27  }
0xcf: {  	s22 =	sadd.s32 $0x40, s22;
	vm3 =	vmneg vm3;
	v27 =	vsub.f32 v30, v11;
	vm4 =	vle.f32 v28, $4.999999990e-07;
	[tilespmem:s18+$0x0] =	vst v29  }
0xd0: {  	vm4 =	vmneg vm4;
	v23 =	vsub.f32 v23, v9  }
0xd1: {  	vm5 =	vle.f32 v26, $4.999999990e-07;
	v25 =	vsub.f32 v25, v10;
	v44 =	vsel vm3, $0xFFFFFFFF, v2  }
0xd2: {  	vm6 =	vle.f32 v27, $4.999999990e-07;
	vm5 =	vmneg vm5;
	v45 =	vsel vm4, $0xFFFFFFFF, v2  }
0xd3: {  	v18 =	vadd.s32 v44, v18;
	vm10 =	vle.f32 v23, $4.999999990e-07;
	vm1 =	vmand vm6, vm1  }
0xd4: {  	vm11 =	vle.f32 v25, $4.999999990e-07;
	v46 =	vsel vm5, $0xFFFFFFFF, v2;
	v17 =	vadd.s32 v45, v17  }
0xd5: {  	vm0 =	vmand vm10, vm0;
	vm2 =	vmand vm11, vm2;
	v47 =	vsel vm1, $0x1, v2  }
0xd6: {  	v19 =	vadd.s32 v46, v19;
	v48 =	vsel vm0, $0x1, v2;
	v18 =	vadd.s32 v47, v18  }
0xd7: {  	v49 =	vsel vm2, $0x1, v2;
	v17 =	vadd.s32 v48, v17;
	v50 =	vshll.u32 v18, $0x4  }
0xd8: {  	v19 =	vadd.s32 v49, v19;
	v51 =	vor.u32 v0, v50;
	v52 =	vshll.u32 v17, $0x4  }
0xd9: {  	v24 =	vld.idx.msk [tilespmem:v24+s11+$0x0], $0xffff;
	v53 =	vshll.u32 v19, $0x4;
	v25 =	vor.u32 v0, v52  }
0xda: {  	v54 =	vor.u32 v0, v53  }
0xdb: {  	v6 =	vsub.f32 v6, v20  }
0xdc: {  	[tilespmem:s17+$0xFFFFFFF0] =	vst v22;
	v8 =	vsub.f32 v8, v15  }
0xdd: {  	[tilespmem:s18+$0xFFFFFFF0] =	vst v13;
	s29 =	sadd.s32 $0x40, s18;
	v14 =	vmul.f32 v14, v4;
	v7 =	vsub.f32 v7, v16;
	v6 =	vmax.f32 v6, $0.0e+00;
	v55 =	vld.idx.msk [tilespmem:v51+s11+$0x0], $0xffff  }
0xde: {  	[tilespmem:s29+$0x10] =	vst v21;
	v8 =	vmax.f32 v8, $0.0e+00;
	v12 =	vsub.f32 v12, v24;
	v6 =	vmul.f32 v6, v4;
	v56 =	vld.idx.msk [tilespmem:v25+s11+$0x0], $0xffff  }
0xdf: {  	[tilespmem:s17+$0x0] =	vst v14;
	v8 =	vmul.f32 v8, v4;
	v7 =	vmax.f32 v7, $0.0e+00;
	v57 =	vld.idx.msk [tilespmem:v54+s11+$0x0], $0xffff  }
0xe0: {  	v12 =	vmax.f32 v12, $0.0e+00;
	[tilespmem:s20+$0xFFFFFFF0] =	vst v6;
	v6 =	vmul.f32 v7, v4  }
0xe1: {  	[tilespmem:s20+$0xFFFFFFE0] =	vst v8;
	v12 =	vmul.f32 v12, v4  }
0xe2: {  	s19 =	sadd.s32 $0x40, s19;
	[tilespmem:s20+$0x0] =	vst v6;
	v58 =	vsub.f32 v11, v55  }
0xe3: {  	[tilespmem:s19+$0x10] =	vst v12;
	v59 =	vsub.f32 v9, v56  }
0xe4: {  	[tilespmem:s29+$0xFFFFFFE0] =	vst v18;
	v7 =	vsub.f32 v10, v57;
	v8 =	vmax.f32 v58, $0.0e+00  }
0xe5: {  	[tilespmem:s29+$0x0] =	vst v19;
	v9 =	vmax.f32 v59, $0.0e+00;
	v8 =	vmul.f32 v8, v4  }
0xe6: {  	[tilespmem:s29+$0xFFFFFFF0] =	vst v17;
	v6 =	vmax.f32 v7, $0.0e+00;
	v7 =	vmul.f32 v9, v4  }
0xe7: {  	v6 =	vmul.f32 v6, v4;
	[tilespmem:s19+$0xFFFFFFE0] =	vst v8  }
0xe8: {  	[tilespmem:s19+$0xFFFFFFF0] =	vst v7  }
0xe9: {  	[tilespmem:s19+$0x0] =	vst v6  }
0xea: {  	v6 =	vld [tilespmem:$0x3300];
	_ =	sdelay $0x4  }
0xeb: {  	v7 =	vsub.f32 v6, v3;
	_ =	sdelay $0x1  }
0xec: {  	v7 =	vmul.f32 v7, v5;
	_ =	sdelay $0x1  }
0xed: {  	v7 =	vtrunc.f32 v7  }
0xee: {  	v7 =	vcvt.f32.s32 v7;
	_ =	sdelay $0x1  }
0xef: {  	vm12 =	vlt.s32 v7, $0x7F  }
0xf0: {  	vm13 =	vlt.s32 v7, $0x7E;
	v60 =	vnsel vm12, $0x7F, v7  }
0xf1: {  	v7 =	vnsel vm13, $0x7E, v7;
	v61 =	vshll.u32 v60, $0x4  }
0xf2: {  	v7 =	vshll.u32 v7, $0x4;
	v9 =	vor.u32 v0, v61  }
0xf3: {  	v7 =	vadd.s32 v1, v7;
	_ =	sdelay $0x3  }
0xf4: {  	v9 =	vld.idx.msk [tilespmem:v9+s11+$0x0], $0xffff  }
0xf5: {  	v7 =	vld.idx.msk [tilespmem:v7+s11+$0x0], $0xffff;
	_ =	sdelay $0x3  }
0xf6: {  	v9 =	vsub.f32 v9, v6  }
0xf7: {  	v7 =	vsub.f32 v7, v6  }
0xf8: {  	vm14 =	vle.f32 v9, $4.999999990e-07  }
0xf9: {  	vm15 =	vle.f32 v7, $4.999999990e-07;
	vm1 =	vmneg vm14  }
0xfa: {  	vm0 =	vmand vm15, vm12;
	v7 =	vsel vm1, $0xFFFFFFFF, v2  }
0xfb: {  	v62 =	vsel vm0, $0x1, v2;
	v7 =	vadd.s32 v7, v60  }
0xfc: {  	v7 =	vadd.s32 v62, v7  }
0xfd: {  	v63 =	vshll.u32 v7, $0x4  }
0xfe: {  	v8 =	vor.u32 v0, v63;
	_ =	sdelay $0x4  }
0xff: {  	v8 =	vld.idx.msk [tilespmem:v8+s11+$0x0], $0xffff;
	_ =	sdelay $0x4  }
0x100: {  	v6 =	vsub.f32 v6, v8;
	_ =	sdelay $0x1  }
0x101: {  	v6 =	vmax.f32 v6, $0.0e+00  }
0x102: {  	v6 =	vmul.f32 v6, v4  }
0x103: {  	[tilespmem:$0x5A80] =	vst v7  }
0x104: {  	s30 =	sadd.s32 s2, s16;
	[tilespmem:$0x8200] =	vst v6  }
0x105: {  	[hbm4b:s30+s4] =	stream.linear.scatter [tilespmem:s12], [sflag:$0x1], $0x2710, $0x38;
	[tilespmem:$0x8280] =	vst v63  }
0x106: {  	s15 =	sadd.s32 $0x1, s15;
	_ =	swait.ge [sflag:s9], $0x2710  }
0x107: {  	p0 =	sne.s32 s15, $0xA;
	[sflag:s9] =	ssyncset.done $0x0  }
.Ltmp3:
0x108: {  	s31 =	sadd.s32 s6, s16;
	[sflag:s9] =	ssyncadd.s32 $0xFFFFD8F0;
	(pc) =	sbr.rel @p0 .LBB2_6-.Ltmp3, $4  }
0x109: {  	[hbm4b:s31+s4] =	stream.linear.scatter [tilespmem:s13], [sflag:$0x1], $0x2710, $0x38;
	[tilespmem:$0x8280] =	vst v63  }
0x10a: {  	_ =	swait.ge [sflag:s9], $0x2710  }
0x10b: {  	[sflag:s9] =	ssyncset.done $0x0  }
0x10c: {  	[sflag:s9] =	ssyncadd.s32 $0xFFFFD8F0  }
0x10d: {  	s14 =	sadd.s32 $0x1, s14  }
0x10e: {  	p0 =	sne.s32 s14, s8  }
.Ltmp4:
0x10f: {  	_ = 	snop;
	(pc) =	sbr.rel @p0 .LBB2_1-.Ltmp4, $1  }
0x110: {  	_ =	sdelay $0x3  }
0x111: {  	_ =	sfence.sel $0x180000  }
0x112: {  	[bflag:$0x0] =	sbarrier.arrive $0xFFFF  }
0x113: {  	p0 =	sne.s32 s3, $0x0;
	_ =	strace $0x9000004A  }
0x114: {  	s0 =	sadd.s32 @!p0 $0x100000, s0;
	[bflag:$0x2] =	sbarrier.arrive $0xFFFF  }
0x115: {  	[sflag:s0] =	ssyncadd.tile.s32 @!p0 $0x1;
	_ =	shalt  }
.Lfunc_end2:
_tile_overlayer_lowered:
.L_overlay_start_2:
0x116: {  	(tag) =	ssettag $0x2  }
0x117: {  	s0 =	rddreg [dreg:$0x0];
	s2 =	stileid.u32  }
0x118: {  	s1 =	rddreg [dreg:$0x1];
	p0 =	sne.s32 s2, $0x0  }
0x119: {  	s3 =	rddreg [dreg:$0x2];
	[bflag:$0x3] =	sbarrier.arrive $0xFFFF;
	s2 =	simm.s32 @!p0 $0x1C01  }
0x11a: {  	[timem:s3], [sflag:s2] =	dma.local @!p0 [hbm:s0], s1  }
0x11b: {  	s0 =	simm.s32 @!p0 $0x1  }
0x11c: {  	_ =	swait.ge @!p0 [sflag:s0], s1  }
0x11d: {  	s1 =	ssub.s32 @!p0 $0x0, s1;
	[sflag:s0] =	ssyncset.done @!p0 $0x0  }
0x11e: {  	[sflag:s0] =	ssyncadd.s32 @!p0 s1  }
0x11f: {  	[bflag:$0x3] =	sbarrier.arrive $0xFFFF  }
0x120: {  	_ =	shalt  }

</sc_bundles>
